<compile_context>
chip_gen: v7x
topology: tpu7x:2x2x1
jax: 0.10.2.dev20260603
libtpu: 0.0.44.dev20260713+nightly
codegen_flags: <defaults>
</compile_context>

<pallas_src>
import functools

import jax
import jax.numpy as jnp
from jax import lax
from jax.experimental import pallas as pl
from jax.experimental.pallas import tpu as pltpu
from jax.experimental.pallas import tpu_sc as plsc

_N = 10000
_NP = 10240
_C = 128
_TW = 2 * _C
_K = 64
_R2 = 0.09 * 0.09
_BIGF = 1e30

_B1 = 256


def _topk_body(pos8_ref, posT8_ref, x_ref, pn_ref, posW_ref,
               idx_ref, vf_ref, t_ref, d2s):
    t_ref[:, 0:_C] = x_ref[...]
    t_ref[:, _C:_TW] = jnp.dot(pn_ref[...], posW_ref[...],
                               preferred_element_type=jnp.float32)
    pos_blk = pos8_ref[...]
    posT = posT8_ref[...]
    dot = jnp.dot(pos_blk, posT, preferred_element_type=jnp.float32)
    sq_i = jnp.sum(pos_blk * pos_blk, axis=1, keepdims=True)
    sq_j = jnp.sum(posT * posT, axis=0, keepdims=True)
    d2s[...] = sq_i + sq_j - 2.0 * dot
    lane = lax.broadcasted_iota(jnp.int32, (_B1, _NP), 1)
    col = lax.broadcasted_iota(jnp.int32, (_B1, _K), 1)

    def body(k, carry):
        d2 = d2s[...]
        mn = jnp.min(d2, axis=1, keepdims=True)
        sel = jnp.min(jnp.where(d2 == mn, lane, jnp.int32(2**30)),
                      axis=1, keepdims=True)
        d2s[...] = jnp.where(lane == sel, _BIGF, d2)
        cm = col == k
        idx_ref[...] = jnp.where(cm, sel, idx_ref[...])
        vf = jnp.where(mn <= _R2, 1.0, 0.0)
        vf_ref[...] = jnp.where(cm, vf, vf_ref[...])
        return carry

    idx_ref[...] = jnp.zeros((_B1, _K), jnp.int32)
    vf_ref[...] = jnp.zeros((_B1, _K), jnp.float32)
    lax.fori_loop(0, _K, body, None)


def _topk(pos8, posT8, xp, pn16, posW16):
    return pl.pallas_call(
        _topk_body,
        grid=(_NP // _B1,),
        in_specs=[
            pl.BlockSpec((_B1, 8), lambda b: (b, 0)),
            pl.BlockSpec((8, _NP), lambda b: (0, 0)),
            pl.BlockSpec((_B1, _C), lambda b: (b, 0)),
            pl.BlockSpec((_B1, 16), lambda b: (b, 0)),
            pl.BlockSpec((16, _C), lambda b: (0, 0)),
        ],
        out_specs=[
            pl.BlockSpec((_B1, _K), lambda b: (b, 0)),
            pl.BlockSpec((_B1, _K), lambda b: (b, 0)),
            pl.BlockSpec((_B1, _TW), lambda b: (b, 0)),
        ],
        out_shape=[
            jax.ShapeDtypeStruct((_NP, _K), jnp.int32),
            jax.ShapeDtypeStruct((_NP, _K), jnp.float32),
            jax.ShapeDtypeStruct((_NP, _TW), jnp.float32),
        ],
        scratch_shapes=[pltpu.VMEM((_B1, _NP), jnp.float32)],
    )(pos8, posT8, xp, pn16, posW16)


_E = _NP * _K
_CH = 128
_CI = 8
_HF = 2


def _sc_gather(tbl, idx2d):
    info = plsc.get_sparse_core_info()
    nw = info.num_cores * info.num_subcores
    rows_w = _E // nw
    outer = rows_w // (_CH * _CI)
    mesh = plsc.VectorSubcoreMesh(core_axis_name="c", subcore_axis_name="s")

    @functools.partial(
        pl.kernel, mesh=mesh,
        out_type=jax.ShapeDtypeStruct((_E, _TW), jnp.float32),
        scratch_types=[
            pltpu.VMEM((_CI, _CH), jnp.int32),
            pltpu.VMEM((_HF * _CH, _TW), jnp.float32),
            pltpu.SemaphoreType.DMA,
        ],
    )
    def k(t_hbm, idx_hbm, out_hbm, idx_v, r1, s1):
        wid = lax.axis_index("s") * info.num_cores + lax.axis_index("c")
        base = wid * rows_w

        def step(g, carry):
            row0 = pl.multiple_of(base + g * (_CH * _CI), _CH * _CI)
            irow = pl.multiple_of(row0 // _CH, _CI)
            pltpu.sync_copy(idx_hbm.at[pl.ds(irow, _CI), :], idx_v)
            for half in range(_CI // _HF):
                d1 = [pltpu.async_copy(t_hbm.at[idx_v.at[half * _HF + j]],
                                       r1.at[pl.ds(j * _CH, _CH), :], s1)
                      for j in range(_HF)]
                for d in d1:
                    d.wait()
                o0 = pl.multiple_of(row0 + half * (_HF * _CH), _HF * _CH)
                pltpu.sync_copy(r1, out_hbm.at[pl.ds(o0, _HF * _CH), :])
            return carry

        lax.fori_loop(0, outer, step, None)

    return k(tbl, idx2d)


_B3 = 64


def _edge_body(t_ref, g_ref, vf_ref,
               linW_ref, srcW_ref, dstW_ref, posb_ref,
               attW_ref, attb_ref, out_ref):
    x_d = t_ref[:, 0:_C]
    q_i = t_ref[:, _C:_TW]
    a_dst = jnp.dot(x_d, dstW_ref[...],
                    preferred_element_type=jnp.float32)
    x_e = g_ref[:, 0:_C]
    q_e = g_ref[:, _C:_TW]
    v_e = jnp.dot(x_e, linW_ref[...], preferred_element_type=jnp.float32)
    as_e = jnp.dot(x_e, srcW_ref[...], preferred_element_type=jnp.float32)
    pb = posb_ref[...].reshape(1, 1, _C)
    delta = jax.nn.relu(q_i[:, None, :] - q_e.reshape(_B3, _K, _C) + pb)
    h = a_dst[:, None, :] - as_e.reshape(_B3, _K, _C) + delta
    alpha = jnp.dot(h.reshape(_B3 * _K, _C), attW_ref[...],
                    preferred_element_type=jnp.float32)
    alpha = jax.nn.relu(alpha + attb_ref[...].reshape(1, _C))
    r0 = lax.broadcasted_iota(jnp.int32, (_B3 * _K, _B3), 0)
    c0 = lax.broadcasted_iota(jnp.int32, (_B3 * _K, _B3), 1)
    sel_dst = (r0 // _K == c0).astype(jnp.float32)
    r1 = lax.broadcasted_iota(jnp.int32, (_B3 * _K, _K), 0)
    c1 = lax.broadcasted_iota(jnp.int32, (_B3 * _K, _K), 1)
    sel_k = (r1 % _K == c1).astype(jnp.float32)
    vf_rows = jnp.dot(sel_dst, vf_ref[...],
                      preferred_element_type=jnp.float32)
    vf_e = jnp.sum(vf_rows * sel_k, axis=1, keepdims=True)
    penalty = (vf_e - 1.0) * _BIGF
    am = (alpha + jnp.broadcast_to(penalty, (_B3 * _K, _C))).reshape(
        _B3, _K, _C)
    mx = jnp.max(am, axis=1, keepdims=True)
    e = jnp.exp(am - mx)
    s = jnp.sum(e, axis=1, keepdims=True)
    w = e / s
    msg = w * (v_e.reshape(_B3, _K, _C) + delta)
    out_ref[...] = jnp.sum(msg, axis=1)


def _edge(tbl, g, vf, linW, srcW, dstW, posb, attW, attb):
    full = lambda r, c: pl.BlockSpec((r, c), lambda b: (0, 0))
    return pl.pallas_call(
        _edge_body,
        grid=(_NP // _B3,),
        in_specs=[
            pl.BlockSpec((_B3, _TW), lambda b: (b, 0)),
            pl.BlockSpec((_B3 * _K, _TW), lambda b: (b, 0)),
            pl.BlockSpec((_B3, _K), lambda b: (b, 0)),
            full(_C, _C), full(_C, _C), full(_C, _C),
            full(1, _C), full(_C, _C), full(1, _C),
        ],
        out_specs=pl.BlockSpec((_B3, _C), lambda b: (b, 0)),
        out_shape=jax.ShapeDtypeStruct((_NP, _C), jnp.float32),
    )(tbl, g, vf, linW, srcW, dstW, posb, attW, attb)


def kernel(x, pos, normal, batch, lin_W, lin_src_W, lin_dst_W, pos_W, pos_b,
           pos_bn_w, pos_bn_b, attn_W, attn_b, attn_bn_w, attn_bn_b):
    pad = _NP - _N
    posp = jnp.pad(pos, ((0, pad), (0, 5)))
    rowpad = (jnp.arange(_NP) >= _N)[:, None]
    colxyz = (jnp.arange(8) < 3)[None, :]
    posp = posp + jnp.where(rowpad & colxyz, 1e3, 0.0).astype(jnp.float32)

    xp = jnp.pad(x, ((0, pad), (0, 0)))
    pn16 = jnp.pad(jnp.concatenate([pos, normal], axis=1),
                   ((0, pad), (0, 10)))
    posW16 = jnp.pad(pos_W, ((0, 10), (0, 0))) * pos_bn_w[None, :]
    posb = (pos_b * pos_bn_w + pos_bn_b).reshape(1, _C)
    attW = attn_W * attn_bn_w[None, :]
    attb = (attn_b * attn_bn_w + attn_bn_b).reshape(1, _C)

    idx, vf, tbl = _topk(posp, posp.T, xp, pn16, posW16)
    g = _sc_gather(tbl, idx.reshape(_E // _CH, _CH))
    out = _edge(tbl, g, vf, lin_W, lin_src_W, lin_dst_W, posb, attW, attb)
    return out[:_N]

# --- scband reference (transcript-rebuilt; emitter-appended) ---
"""Pipeline reference for scband-point-transformer-conv1-2078764172139 (READ-ONLY COPY).

The authoritative reference and input builder live on the scoring server;
editing this copy changes nothing except your own understanding.
"""

import jax, jax.numpy as jnp
import numpy as np

N = 10000
IN_C = 128
OUT_C = 128
R = 0.09
K = 64

def setup_inputs(seed: int = 0):
    key = jax.random.key(seed)
    ks = jax.random.split(key, 12)
    s_in = 1.0 / np.sqrt(IN_C)
    s6 = 1.0 / np.sqrt(6.0)
    s_out = 1.0 / np.sqrt(OUT_C)
    return {
        "x": jax.random.normal(ks[0], (N, IN_C), dtype=jnp.float32),
        "pos": jax.random.uniform(ks[1], (N, 3), dtype=jnp.float32),
        "normal": jax.random.normal(ks[2], (N, 3), dtype=jnp.float32),
        "batch": jnp.zeros((N,), dtype=jnp.int32),
        "lin_W": jax.random.normal(ks[3], (IN_C, OUT_C), dtype=jnp.float32) * s_in,
        "lin_src_W": jax.random.normal(ks[4], (IN_C, OUT_C), dtype=jnp.float32) * s_in,
        "lin_dst_W": jax.random.normal(ks[5], (IN_C, OUT_C), dtype=jnp.float32) * s_in,
        "pos_W": jax.random.normal(ks[6], (6, OUT_C), dtype=jnp.float32) * s6,
        "pos_b": jnp.zeros((OUT_C,), dtype=jnp.float32),
        "pos_bn_w": jnp.ones((OUT_C,), dtype=jnp.float32),
        "pos_bn_b": jnp.zeros((OUT_C,), dtype=jnp.float32),
        "attn_W": jax.random.normal(ks[7], (OUT_C, OUT_C), dtype=jnp.float32) * s_out,
        "attn_b": jnp.zeros((OUT_C,), dtype=jnp.float32),
        "attn_bn_w": jnp.ones((OUT_C,), dtype=jnp.float32),
        "attn_bn_b": jnp.zeros((OUT_C,), dtype=jnp.float32),
    }

def _mlp(h, W, b, bn_w, bn_b):
    # Seq(Linear, BatchNorm1d(eval: running stats mean=0, var=1), ReLU, Dropout(eval: identity))
    h = h @ W + b
    h = h * bn_w + bn_b
    return jax.nn.relu(h)

def _graph(pos, batch):
    # torch_cluster.radius(pos, pos, r, batch, batch, max_num_neighbors=64)
    sq = jnp.sum(pos * pos, axis=1)
    d2 = sq[:, None] + sq[None, :] - 2.0 * (pos @ pos.T)
    same = batch[:, None] == batch[None, :]
    d2 = jnp.where(same, d2, jnp.inf)
    neg, idx = jax.lax.top_k(-d2, K)  # up to K nearest per query (dst) node; includes self (d2=0)
    valid = (-neg) <= R * R
    return idx, valid

def reference(x, pos, normal, batch, lin_W, lin_src_W, lin_dst_W, pos_W, pos_b, pos_bn_w, pos_bn_b, attn_W, attn_b, attn_bn_w, attn_bn_b):
    idx, valid = _graph(pos, batch)
    v = x @ lin_W          # value projection (PyG lin)
    a_src = x @ lin_src_W  # alpha_j
    a_dst = x @ lin_dst_W  # alpha_i
    rel = jnp.concatenate([pos[:, None, :] - pos[idx], normal[:, None, :] - normal[idx]], axis=-1)  # [N,K,6]
    delta = _mlp(rel, pos_W, pos_b, pos_bn_w, pos_bn_b)  # pos_nn
    alpha = _mlp(a_dst[:, None, :] - a_src[idx] + delta, attn_W, attn_b, attn_bn_w, attn_bn_b)  # attn_nn
    alpha = jnp.where(valid[:, :, None], alpha, -jnp.inf)
    alpha = jax.nn.softmax(alpha, axis=1)  # per-dst, per-channel softmax over neighbors
    msg = jnp.where(valid[:, :, None], alpha * (v[idx] + delta), 0.0)
    return jnp.sum(msg, axis=1)

if __name__ == "__main__":
    import jax
    _d = setup_inputs()
    print(jax.jit(kernel)(*tuple(_d.values())))

</pallas_src>

<mosaic_0001>
#map = affine_map<(d0, d1) -> (0, 0)>
module attributes {stable_mosaic.version = 14 : i64} {
  func.func @k(%arg0: i32, %arg1: i32, %arg2: memref<10240x256xf32, #tpu.memory_space<hbm>>, %arg3: memref<5120x128xi32, #tpu.memory_space<hbm>>, %arg4: memref<655360x256xf32, #tpu.memory_space<hbm>>, %arg5: memref<8x128xi32, #tpu.memory_space<vmem>>, %arg6: memref<256x256xf32, #tpu.memory_space<vmem>>, %arg7: memref<!tpu.dma_semaphore, #tpu.memory_space<semaphore_mem>>) attributes {dimension_semantics = [#tpu.dimension_semantics<core_parallel>, #tpu.dimension_semantics<subcore_parallel>], iteration_bounds = array<i64: 2, 16>, scalar_prefetch = 0 : i64, scratch_operands = 3 : i64, tpu.core_type = #tpu.core_type<sc_vector_subcore>, window_params = [{transform_indices = #map}, {transform_indices = #map}, {transform_indices = #map}]} {
    %mul3A = arith.constant 2 : i32
    %mul3A_0 = arith.muli %arg1, %mul3A : i32
    %add3A = arith.addi %mul3A_0, %arg0 : i32
    %mul3A_1 = arith.constant 20480 : i32
    %mul3A_2 = arith.muli %add3A, %mul3A_1 : i32
    %scan3A = arith.constant 0 : i32
    %scan3A_3 = arith.constant 20 : i32
    %scan3A_4 = arith.addi %scan3A, %scan3A_3 : i32
    %scan3A_5 = arith.constant 1 : i32
    scf.for %scan3A_7 = %scan3A to %scan3A_4 step %scan3A_5  : i32 {
      %mul3A_8 = arith.constant 1024 : i32
      %mul3A_9 = arith.muli %scan3A_7, %mul3A_8 : i32
      %add3A_10 = arith.addi %mul3A_2, %mul3A_9 : i32
      %multiple_of3A = tpu.assume_multiple %add3A_10, 1024 : i32
      %jit3A = arith.constant 128 : i32
      %div3A = arith.divsi %multiple_of3A, %jit3A : i32
      %sign3A = arith.constant 0 : i32
      %sign3A_11 = arith.cmpi sgt, %multiple_of3A, %sign3A : i32
      %sign3A_12 = arith.extui %sign3A_11 : i1 to i32
      %sign3A_13 = arith.constant 0 : i32
      %sign3A_14 = arith.cmpi slt, %multiple_of3A, %sign3A_13 : i32
      %sign3A_15 = arith.extui %sign3A_14 : i1 to i32
      %sign3A_16 = arith.subi %sign3A_12, %sign3A_15 : i32
      %sign3A_17 = arith.constant 0 : i32
      %sign3A_18 = arith.cmpi sgt, %jit3A, %sign3A_17 : i32
      %sign3A_19 = arith.extui %sign3A_18 : i1 to i32
      %sign3A_20 = arith.constant 0 : i32
      %sign3A_21 = arith.cmpi slt, %jit3A, %sign3A_20 : i32
      %sign3A_22 = arith.extui %sign3A_21 : i1 to i32
      %sign3A_23 = arith.subi %sign3A_19, %sign3A_22 : i32
      %ne3A = arith.cmpi ne, %sign3A_16, %sign3A_23 : i32
      %rem3A = arith.remsi %multiple_of3A, %jit3A : i32
      %ne3A_24 = arith.constant 0 : i32
      %ne3A_25 = arith.cmpi ne, %rem3A, %ne3A_24 : i32
      %and3A = arith.andi %ne3A, %ne3A_25 : i1
      %sub3A = arith.constant 1 : i32
      %sub3A_26 = arith.subi %div3A, %sub3A : i32
      %select_n3A = arith.select %and3A, %sub3A_26, %div3A : i32
      %multiple_of3A_27 = tpu.assume_multiple %select_n3A, 8 : i32
      "tpu.region"() ({
        %run_scoped3A = tpu.sem_alloc : memref<!tpu.dma_semaphore, #tpu.memory_space<semaphore_mem>>
        %dma_start3A_198 = arith.constant 0 : i32
        %dma_start3A_199 = tpu.memref_slice %arg3[%multiple_of3A_27, %dma_start3A_198] : memref<5120x128xi32, #tpu.memory_space<hbm>> -> memref<8x128xi32, #tpu.memory_space<hbm>>
        %dma_start3A_200 = arith.constant 0 : i32
        %dma_start3A_201 = tpu.memref_slice %arg3[%multiple_of3A_27, %dma_start3A_200] : memref<5120x128xi32, #tpu.memory_space<hbm>> -> memref<8x128xi32, #tpu.memory_space<hbm>>
        tpu.enqueue_dma source(%dma_start3A_201 : memref<8x128xi32, #tpu.memory_space<hbm>>) target(%arg5 : memref<8x128xi32, #tpu.memory_space<vmem>>) target_semaphore(%run_scoped3A : memref<!tpu.dma_semaphore, #tpu.memory_space<semaphore_mem>>)
        %dma_wait3A_202 = arith.constant 0 : i32
        %dma_wait3A_203 = tpu.memref_slice %arg3[%multiple_of3A_27, %dma_wait3A_202] : memref<5120x128xi32, #tpu.memory_space<hbm>> -> memref<8x128xi32, #tpu.memory_space<hbm>>
        %dma_wait3A_204 = arith.constant 0 : i32
        %dma_wait3A_205 = tpu.memref_slice %arg3[%multiple_of3A_27, %dma_wait3A_204] : memref<5120x128xi32, #tpu.memory_space<hbm>> -> memref<8x128xi32, #tpu.memory_space<hbm>>
        tpu.wait_dma2 semaphore(%run_scoped3A : memref<!tpu.dma_semaphore, #tpu.memory_space<semaphore_mem>>) src(%dma_wait3A_205 : memref<8x128xi32, #tpu.memory_space<hbm>>) dst(%arg5 : memref<8x128xi32, #tpu.memory_space<vmem>>)
        tpu.yield
      }) : () -> ()
      %dma_start3A = arith.constant 0 : i32
      %dma_start3A_28 = arith.constant 0 : i32
      %dma_start3A_29 = arith.constant 0 : i32
      %dma_start3A_30 = tpu.memref_slice %arg6[%dma_start3A_28, %dma_start3A_29] : memref<256x256xf32, #tpu.memory_space<vmem>> -> memref<128x256xf32, #tpu.memory_space<vmem>>
      %dma_start3A_31 = arith.constant 0 : i32
      %dma_start3A_32 = tpu.memref_slice %arg5[%dma_start3A, %dma_start3A_31] : memref<8x128xi32, #tpu.memory_space<vmem>> -> memref<1x128xi32, #tpu.memory_space<vmem>>
      %dma_start3A_33 = tpu.memref_squeeze %dma_start3A_32 : memref<1x128xi32, #tpu.memory_space<vmem>> -> memref<128xi32, #tpu.memory_space<vmem>>
      %dma_start3A_34 = arith.constant 0 : i32
      %dma_start3A_35 = arith.constant 0 : i32
      %dma_start3A_36 = tpu.memref_slice %arg2[%dma_start3A_34, %dma_start3A_35] : memref<10240x256xf32, #tpu.memory_space<hbm>> -> memref<10240x256xf32, #tpu.memory_space<hbm>>
      tpu.enqueue_indirect_dma source(%dma_start3A_36 : memref<10240x256xf32, #tpu.memory_space<hbm>>) target(%dma_start3A_30 : memref<128x256xf32, #tpu.memory_space<vmem>>) offsets(%dma_start3A_33 : memref<128xi32, #tpu.memory_space<vmem>>) semaphore(%arg7 : memref<!tpu.dma_semaphore, #tpu.memory_space<semaphore_mem>>)
      %dma_start3A_37 = arith.constant 1 : i32
      %dma_start3A_38 = arith.constant 128 : i32
      %dma_start3A_39 = arith.constant 0 : i32
      %dma_start3A_40 = tpu.memref_slice %arg6[%dma_start3A_38, %dma_start3A_39] : memref<256x256xf32, #tpu.memory_space<vmem>> -> memref<128x256xf32, #tpu.memory_space<vmem>>
      %dma_start3A_41 = arith.constant 0 : i32
      %dma_start3A_42 = tpu.memref_slice %arg5[%dma_start3A_37, %dma_start3A_41] : memref<8x128xi32, #tpu.memory_space<vmem>> -> memref<1x128xi32, #tpu.memory_space<vmem>>
      %dma_start3A_43 = tpu.memref_squeeze %dma_start3A_42 : memref<1x128xi32, #tpu.memory_space<vmem>> -> memref<128xi32, #tpu.memory_space<vmem>>
      %dma_start3A_44 = arith.constant 0 : i32
      %dma_start3A_45 = arith.constant 0 : i32
      %dma_start3A_46 = tpu.memref_slice %arg2[%dma_start3A_44, %dma_start3A_45] : memref<10240x256xf32, #tpu.memory_space<hbm>> -> memref<10240x256xf32, #tpu.memory_space<hbm>>
      tpu.enqueue_indirect_dma source(%dma_start3A_46 : memref<10240x256xf32, #tpu.memory_space<hbm>>) target(%dma_start3A_40 : memref<128x256xf32, #tpu.memory_space<vmem>>) offsets(%dma_start3A_43 : memref<128xi32, #tpu.memory_space<vmem>>) semaphore(%arg7 : memref<!tpu.dma_semaphore, #tpu.memory_space<semaphore_mem>>)
      %dma_wait3A = arith.constant 0 : i32
      %dma_wait3A_47 = arith.constant 0 : i32
      %dma_wait3A_48 = arith.constant 0 : i32
      %dma_wait3A_49 = tpu.memref_slice %arg6[%dma_wait3A_47, %dma_wait3A_48] : memref<256x256xf32, #tpu.memory_space<vmem>> -> memref<128x256xf32, #tpu.memory_space<vmem>>
      %dma_wait3A_50 = arith.constant 0 : i32
      %dma_wait3A_51 = tpu.memref_slice %arg5[%dma_wait3A, %dma_wait3A_50] : memref<8x128xi32, #tpu.memory_space<vmem>> -> memref<1x128xi32, #tpu.memory_space<vmem>>
      %dma_wait3A_52 = tpu.memref_squeeze %dma_wait3A_51 : memref<1x128xi32, #tpu.memory_space<vmem>> -> memref<128xi32, #tpu.memory_space<vmem>>
      %dma_wait3A_53 = arith.constant 0 : i32
      %dma_wait3A_54 = arith.constant 0 : i32
      %dma_wait3A_55 = tpu.memref_slice %arg2[%dma_wait3A_53, %dma_wait3A_54] : memref<10240x256xf32, #tpu.memory_space<hbm>> -> memref<10240x256xf32, #tpu.memory_space<hbm>>
      tpu.wait_indirect_dma semaphore(%arg7 : memref<!tpu.dma_semaphore, #tpu.memory_space<semaphore_mem>>) src(%dma_wait3A_55 : memref<10240x256xf32, #tpu.memory_space<hbm>>) dst(%dma_wait3A_49 : memref<128x256xf32, #tpu.memory_space<vmem>>)
      %dma_wait3A_56 = arith.constant 1 : i32
      %dma_wait3A_57 = arith.constant 128 : i32
      %dma_wait3A_58 = arith.constant 0 : i32
      %dma_wait3A_59 = tpu.memref_slice %arg6[%dma_wait3A_57, %dma_wait3A_58] : memref<256x256xf32, #tpu.memory_space<vmem>> -> memref<128x256xf32, #tpu.memory_space<vmem>>
      %dma_wait3A_60 = arith.constant 0 : i32
      %dma_wait3A_61 = tpu.memref_slice %arg5[%dma_wait3A_56, %dma_wait3A_60] : memref<8x128xi32, #tpu.memory_space<vmem>> -> memref<1x128xi32, #tpu.memory_space<vmem>>
      %dma_wait3A_62 = tpu.memref_squeeze %dma_wait3A_61 : memref<1x128xi32, #tpu.memory_space<vmem>> -> memref<128xi32, #tpu.memory_space<vmem>>
      %dma_wait3A_63 = arith.constant 0 : i32
      %dma_wait3A_64 = arith.constant 0 : i32
      %dma_wait3A_65 = tpu.memref_slice %arg2[%dma_wait3A_63, %dma_wait3A_64] : memref<10240x256xf32, #tpu.memory_space<hbm>> -> memref<10240x256xf32, #tpu.memory_space<hbm>>
      tpu.wait_indirect_dma semaphore(%arg7 : memref<!tpu.dma_semaphore, #tpu.memory_space<semaphore_mem>>) src(%dma_wait3A_65 : memref<10240x256xf32, #tpu.memory_space<hbm>>) dst(%dma_wait3A_59 : memref<128x256xf32, #tpu.memory_space<vmem>>)
      %add3A_66 = arith.constant 0 : i32
      %add3A_67 = arith.addi %multiple_of3A, %add3A_66 : i32
      %multiple_of3A_68 = tpu.assume_multiple %add3A_67, 256 : i32
      "tpu.region"() ({
        %run_scoped3A = tpu.sem_alloc : memref<!tpu.dma_semaphore, #tpu.memory_space<semaphore_mem>>
        %dma_start3A_198 = arith.constant 0 : i32
        %dma_start3A_199 = tpu.memref_slice %arg4[%multiple_of3A_68, %dma_start3A_198] : memref<655360x256xf32, #tpu.memory_space<hbm>> -> memref<256x256xf32, #tpu.memory_space<hbm>>
        %dma_start3A_200 = arith.constant 0 : i32
        %dma_start3A_201 = tpu.memref_slice %arg4[%multiple_of3A_68, %dma_start3A_200] : memref<655360x256xf32, #tpu.memory_space<hbm>> -> memref<256x256xf32, #tpu.memory_space<hbm>>
        tpu.enqueue_dma source(%arg6 : memref<256x256xf32, #tpu.memory_space<vmem>>) target(%dma_start3A_201 : memref<256x256xf32, #tpu.memory_space<hbm>>) target_semaphore(%run_scoped3A : memref<!tpu.dma_semaphore, #tpu.memory_space<semaphore_mem>>)
        %dma_wait3A_202 = arith.constant 0 : i32
        %dma_wait3A_203 = tpu.memref_slice %arg4[%multiple_of3A_68, %dma_wait3A_202] : memref<655360x256xf32, #tpu.memory_space<hbm>> -> memref<256x256xf32, #tpu.memory_space<hbm>>
        %dma_wait3A_204 = arith.constant 0 : i32
        %dma_wait3A_205 = tpu.memref_slice %arg4[%multiple_of3A_68, %dma_wait3A_204] : memref<655360x256xf32, #tpu.memory_space<hbm>> -> memref<256x256xf32, #tpu.memory_space<hbm>>
        tpu.wait_dma2 semaphore(%run_scoped3A : memref<!tpu.dma_semaphore, #tpu.memory_space<semaphore_mem>>) src(%arg6 : memref<256x256xf32, #tpu.memory_space<vmem>>) dst(%dma_wait3A_205 : memref<256x256xf32, #tpu.memory_space<hbm>>)
        tpu.yield
      }) : () -> ()
      %dma_start3A_69 = arith.constant 2 : i32
      %dma_start3A_70 = arith.constant 0 : i32
      %dma_start3A_71 = arith.constant 0 : i32
      %dma_start3A_72 = tpu.memref_slice %arg6[%dma_start3A_70, %dma_start3A_71] : memref<256x256xf32, #tpu.memory_space<vmem>> -> memref<128x256xf32, #tpu.memory_space<vmem>>
      %dma_start3A_73 = arith.constant 0 : i32
      %dma_start3A_74 = tpu.memref_slice %arg5[%dma_start3A_69, %dma_start3A_73] : memref<8x128xi32, #tpu.memory_space<vmem>> -> memref<1x128xi32, #tpu.memory_space<vmem>>
      %dma_start3A_75 = tpu.memref_squeeze %dma_start3A_74 : memref<1x128xi32, #tpu.memory_space<vmem>> -> memref<128xi32, #tpu.memory_space<vmem>>
      %dma_start3A_76 = arith.constant 0 : i32
      %dma_start3A_77 = arith.constant 0 : i32
      %dma_start3A_78 = tpu.memref_slice %arg2[%dma_start3A_76, %dma_start3A_77] : memref<10240x256xf32, #tpu.memory_space<hbm>> -> memref<10240x256xf32, #tpu.memory_space<hbm>>
      tpu.enqueue_indirect_dma source(%dma_start3A_78 : memref<10240x256xf32, #tpu.memory_space<hbm>>) target(%dma_start3A_72 : memref<128x256xf32, #tpu.memory_space<vmem>>) offsets(%dma_start3A_75 : memref<128xi32, #tpu.memory_space<vmem>>) semaphore(%arg7 : memref<!tpu.dma_semaphore, #tpu.memory_space<semaphore_mem>>)
      %dma_start3A_79 = arith.constant 3 : i32
      %dma_start3A_80 = arith.constant 128 : i32
      %dma_start3A_81 = arith.constant 0 : i32
      %dma_start3A_82 = tpu.memref_slice %arg6[%dma_start3A_80, %dma_start3A_81] : memref<256x256xf32, #tpu.memory_space<vmem>> -> memref<128x256xf32, #tpu.memory_space<vmem>>
      %dma_start3A_83 = arith.constant 0 : i32
      %dma_start3A_84 = tpu.memref_slice %arg5[%dma_start3A_79, %dma_start3A_83] : memref<8x128xi32, #tpu.memory_space<vmem>> -> memref<1x128xi32, #tpu.memory_space<vmem>>
      %dma_start3A_85 = tpu.memref_squeeze %dma_start3A_84 : memref<1x128xi32, #tpu.memory_space<vmem>> -> memref<128xi32, #tpu.memory_space<vmem>>
      %dma_start3A_86 = arith.constant 0 : i32
      %dma_start3A_87 = arith.constant 0 : i32
      %dma_start3A_88 = tpu.memref_slice %arg2[%dma_start3A_86, %dma_start3A_87] : memref<10240x256xf32, #tpu.memory_space<hbm>> -> memref<10240x256xf32, #tpu.memory_space<hbm>>
      tpu.enqueue_indirect_dma source(%dma_start3A_88 : memref<10240x256xf32, #tpu.memory_space<hbm>>) target(%dma_start3A_82 : memref<128x256xf32, #tpu.memory_space<vmem>>) offsets(%dma_start3A_85 : memref<128xi32, #tpu.memory_space<vmem>>) semaphore(%arg7 : memref<!tpu.dma_semaphore, #tpu.memory_space<semaphore_mem>>)
      %dma_wait3A_89 = arith.constant 2 : i32
      %dma_wait3A_90 = arith.constant 0 : i32
      %dma_wait3A_91 = arith.constant 0 : i32
      %dma_wait3A_92 = tpu.memref_slice %arg6[%dma_wait3A_90, %dma_wait3A_91] : memref<256x256xf32, #tpu.memory_space<vmem>> -> memref<128x256xf32, #tpu.memory_space<vmem>>
      %dma_wait3A_93 = arith.constant 0 : i32
      %dma_wait3A_94 = tpu.memref_slice %arg5[%dma_wait3A_89, %dma_wait3A_93] : memref<8x128xi32, #tpu.memory_space<vmem>> -> memref<1x128xi32, #tpu.memory_space<vmem>>
      %dma_wait3A_95 = tpu.memref_squeeze %dma_wait3A_94 : memref<1x128xi32, #tpu.memory_space<vmem>> -> memref<128xi32, #tpu.memory_space<vmem>>
      %dma_wait3A_96 = arith.constant 0 : i32
      %dma_wait3A_97 = arith.constant 0 : i32
      %dma_wait3A_98 = tpu.memref_slice %arg2[%dma_wait3A_96, %dma_wait3A_97] : memref<10240x256xf32, #tpu.memory_space<hbm>> -> memref<10240x256xf32, #tpu.memory_space<hbm>>
      tpu.wait_indirect_dma semaphore(%arg7 : memref<!tpu.dma_semaphore, #tpu.memory_space<semaphore_mem>>) src(%dma_wait3A_98 : memref<10240x256xf32, #tpu.memory_space<hbm>>) dst(%dma_wait3A_92 : memref<128x256xf32, #tpu.memory_space<vmem>>)
      %dma_wait3A_99 = arith.constant 3 : i32
      %dma_wait3A_100 = arith.constant 128 : i32
      %dma_wait3A_101 = arith.constant 0 : i32
      %dma_wait3A_102 = tpu.memref_slice %arg6[%dma_wait3A_100, %dma_wait3A_101] : memref<256x256xf32, #tpu.memory_space<vmem>> -> memref<128x256xf32, #tpu.memory_space<vmem>>
      %dma_wait3A_103 = arith.constant 0 : i32
      %dma_wait3A_104 = tpu.memref_slice %arg5[%dma_wait3A_99, %dma_wait3A_103] : memref<8x128xi32, #tpu.memory_space<vmem>> -> memref<1x128xi32, #tpu.memory_space<vmem>>
      %dma_wait3A_105 = tpu.memref_squeeze %dma_wait3A_104 : memref<1x128xi32, #tpu.memory_space<vmem>> -> memref<128xi32, #tpu.memory_space<vmem>>
      %dma_wait3A_106 = arith.constant 0 : i32
      %dma_wait3A_107 = arith.constant 0 : i32
      %dma_wait3A_108 = tpu.memref_slice %arg2[%dma_wait3A_106, %dma_wait3A_107] : memref<10240x256xf32, #tpu.memory_space<hbm>> -> memref<10240x256xf32, #tpu.memory_space<hbm>>
      tpu.wait_indirect_dma semaphore(%arg7 : memref<!tpu.dma_semaphore, #tpu.memory_space<semaphore_mem>>) src(%dma_wait3A_108 : memref<10240x256xf32, #tpu.memory_space<hbm>>) dst(%dma_wait3A_102 : memref<128x256xf32, #tpu.memory_space<vmem>>)
      %add3A_109 = arith.constant 256 : i32
      %add3A_110 = arith.addi %multiple_of3A, %add3A_109 : i32
      %multiple_of3A_111 = tpu.assume_multiple %add3A_110, 256 : i32
      "tpu.region"() ({
        %run_scoped3A = tpu.sem_alloc : memref<!tpu.dma_semaphore, #tpu.memory_space<semaphore_mem>>
        %dma_start3A_198 = arith.constant 0 : i32
        %dma_start3A_199 = tpu.memref_slice %arg4[%multiple_of3A_111, %dma_start3A_198] : memref<655360x256xf32, #tpu.memory_space<hbm>> -> memref<256x256xf32, #tpu.memory_space<hbm>>
        %dma_start3A_200 = arith.constant 0 : i32
        %dma_start3A_201 = tpu.memref_slice %arg4[%multiple_of3A_111, %dma_start3A_200] : memref<655360x256xf32, #tpu.memory_space<hbm>> -> memref<256x256xf32, #tpu.memory_space<hbm>>
        tpu.enqueue_dma source(%arg6 : memref<256x256xf32, #tpu.memory_space<vmem>>) target(%dma_start3A_201 : memref<256x256xf32, #tpu.memory_space<hbm>>) target_semaphore(%run_scoped3A : memref<!tpu.dma_semaphore, #tpu.memory_space<semaphore_mem>>)
        %dma_wait3A_202 = arith.constant 0 : i32
        %dma_wait3A_203 = tpu.memref_slice %arg4[%multiple_of3A_111, %dma_wait3A_202] : memref<655360x256xf32, #tpu.memory_space<hbm>> -> memref<256x256xf32, #tpu.memory_space<hbm>>
        %dma_wait3A_204 = arith.constant 0 : i32
        %dma_wait3A_205 = tpu.memref_slice %arg4[%multiple_of3A_111, %dma_wait3A_204] : memref<655360x256xf32, #tpu.memory_space<hbm>> -> memref<256x256xf32, #tpu.memory_space<hbm>>
        tpu.wait_dma2 semaphore(%run_scoped3A : memref<!tpu.dma_semaphore, #tpu.memory_space<semaphore_mem>>) src(%arg6 : memref<256x256xf32, #tpu.memory_space<vmem>>) dst(%dma_wait3A_205 : memref<256x256xf32, #tpu.memory_space<hbm>>)
        tpu.yield
      }) : () -> ()
      %dma_start3A_112 = arith.constant 4 : i32
      %dma_start3A_113 = arith.constant 0 : i32
      %dma_start3A_114 = arith.constant 0 : i32
      %dma_start3A_115 = tpu.memref_slice %arg6[%dma_start3A_113, %dma_start3A_114] : memref<256x256xf32, #tpu.memory_space<vmem>> -> memref<128x256xf32, #tpu.memory_space<vmem>>
      %dma_start3A_116 = arith.constant 0 : i32
      %dma_start3A_117 = tpu.memref_slice %arg5[%dma_start3A_112, %dma_start3A_116] : memref<8x128xi32, #tpu.memory_space<vmem>> -> memref<1x128xi32, #tpu.memory_space<vmem>>
      %dma_start3A_118 = tpu.memref_squeeze %dma_start3A_117 : memref<1x128xi32, #tpu.memory_space<vmem>> -> memref<128xi32, #tpu.memory_space<vmem>>
      %dma_start3A_119 = arith.constant 0 : i32
      %dma_start3A_120 = arith.constant 0 : i32
      %dma_start3A_121 = tpu.memref_slice %arg2[%dma_start3A_119, %dma_start3A_120] : memref<10240x256xf32, #tpu.memory_space<hbm>> -> memref<10240x256xf32, #tpu.memory_space<hbm>>
      tpu.enqueue_indirect_dma source(%dma_start3A_121 : memref<10240x256xf32, #tpu.memory_space<hbm>>) target(%dma_start3A_115 : memref<128x256xf32, #tpu.memory_space<vmem>>) offsets(%dma_start3A_118 : memref<128xi32, #tpu.memory_space<vmem>>) semaphore(%arg7 : memref<!tpu.dma_semaphore, #tpu.memory_space<semaphore_mem>>)
      %dma_start3A_122 = arith.constant 5 : i32
      %dma_start3A_123 = arith.constant 128 : i32
      %dma_start3A_124 = arith.constant 0 : i32
      %dma_start3A_125 = tpu.memref_slice %arg6[%dma_start3A_123, %dma_start3A_124] : memref<256x256xf32, #tpu.memory_space<vmem>> -> memref<128x256xf32, #tpu.memory_space<vmem>>
      %dma_start3A_126 = arith.constant 0 : i32
      %dma_start3A_127 = tpu.memref_slice %arg5[%dma_start3A_122, %dma_start3A_126] : memref<8x128xi32, #tpu.memory_space<vmem>> -> memref<1x128xi32, #tpu.memory_space<vmem>>
      %dma_start3A_128 = tpu.memref_squeeze %dma_start3A_127 : memref<1x128xi32, #tpu.memory_space<vmem>> -> memref<128xi32, #tpu.memory_space<vmem>>
      %dma_start3A_129 = arith.constant 0 : i32
      %dma_start3A_130 = arith.constant 0 : i32
      %dma_start3A_131 = tpu.memref_slice %arg2[%dma_start3A_129, %dma_start3A_130] : memref<10240x256xf32, #tpu.memory_space<hbm>> -> memref<10240x256xf32, #tpu.memory_space<hbm>>
      tpu.enqueue_indirect_dma source(%dma_start3A_131 : memref<10240x256xf32, #tpu.memory_space<hbm>>) target(%dma_start3A_125 : memref<128x256xf32, #tpu.memory_space<vmem>>) offsets(%dma_start3A_128 : memref<128xi32, #tpu.memory_space<vmem>>) semaphore(%arg7 : memref<!tpu.dma_semaphore, #tpu.memory_space<semaphore_mem>>)
      %dma_wait3A_132 = arith.constant 4 : i32
      %dma_wait3A_133 = arith.constant 0 : i32
      %dma_wait3A_134 = arith.constant 0 : i32
      %dma_wait3A_135 = tpu.memref_slice %arg6[%dma_wait3A_133, %dma_wait3A_134] : memref<256x256xf32, #tpu.memory_space<vmem>> -> memref<128x256xf32, #tpu.memory_space<vmem>>
      %dma_wait3A_136 = arith.constant 0 : i32
      %dma_wait3A_137 = tpu.memref_slice %arg5[%dma_wait3A_132, %dma_wait3A_136] : memref<8x128xi32, #tpu.memory_space<vmem>> -> memref<1x128xi32, #tpu.memory_space<vmem>>
      %dma_wait3A_138 = tpu.memref_squeeze %dma_wait3A_137 : memref<1x128xi32, #tpu.memory_space<vmem>> -> memref<128xi32, #tpu.memory_space<vmem>>
      %dma_wait3A_139 = arith.constant 0 : i32
      %dma_wait3A_140 = arith.constant 0 : i32
      %dma_wait3A_141 = tpu.memref_slice %arg2[%dma_wait3A_139, %dma_wait3A_140] : memref<10240x256xf32, #tpu.memory_space<hbm>> -> memref<10240x256xf32, #tpu.memory_space<hbm>>
      tpu.wait_indirect_dma semaphore(%arg7 : memref<!tpu.dma_semaphore, #tpu.memory_space<semaphore_mem>>) src(%dma_wait3A_141 : memref<10240x256xf32, #tpu.memory_space<hbm>>) dst(%dma_wait3A_135 : memref<128x256xf32, #tpu.memory_space<vmem>>)
      %dma_wait3A_142 = arith.constant 5 : i32
      %dma_wait3A_143 = arith.constant 128 : i32
      %dma_wait3A_144 = arith.constant 0 : i32
      %dma_wait3A_145 = tpu.memref_slice %arg6[%dma_wait3A_143, %dma_wait3A_144] : memref<256x256xf32, #tpu.memory_space<vmem>> -> memref<128x256xf32, #tpu.memory_space<vmem>>
      %dma_wait3A_146 = arith.constant 0 : i32
      %dma_wait3A_147 = tpu.memref_slice %arg5[%dma_wait3A_142, %dma_wait3A_146] : memref<8x128xi32, #tpu.memory_space<vmem>> -> memref<1x128xi32, #tpu.memory_space<vmem>>
      %dma_wait3A_148 = tpu.memref_squeeze %dma_wait3A_147 : memref<1x128xi32, #tpu.memory_space<vmem>> -> memref<128xi32, #tpu.memory_space<vmem>>
      %dma_wait3A_149 = arith.constant 0 : i32
      %dma_wait3A_150 = arith.constant 0 : i32
      %dma_wait3A_151 = tpu.memref_slice %arg2[%dma_wait3A_149, %dma_wait3A_150] : memref<10240x256xf32, #tpu.memory_space<hbm>> -> memref<10240x256xf32, #tpu.memory_space<hbm>>
      tpu.wait_indirect_dma semaphore(%arg7 : memref<!tpu.dma_semaphore, #tpu.memory_space<semaphore_mem>>) src(%dma_wait3A_151 : memref<10240x256xf32, #tpu.memory_space<hbm>>) dst(%dma_wait3A_145 : memref<128x256xf32, #tpu.memory_space<vmem>>)
      %add3A_152 = arith.constant 512 : i32
      %add3A_153 = arith.addi %multiple_of3A, %add3A_152 : i32
      %multiple_of3A_154 = tpu.assume_multiple %add3A_153, 256 : i32
      "tpu.region"() ({
        %run_scoped3A = tpu.sem_alloc : memref<!tpu.dma_semaphore, #tpu.memory_space<semaphore_mem>>
        %dma_start3A_198 = arith.constant 0 : i32
        %dma_start3A_199 = tpu.memref_slice %arg4[%multiple_of3A_154, %dma_start3A_198] : memref<655360x256xf32, #tpu.memory_space<hbm>> -> memref<256x256xf32, #tpu.memory_space<hbm>>
        %dma_start3A_200 = arith.constant 0 : i32
        %dma_start3A_201 = tpu.memref_slice %arg4[%multiple_of3A_154, %dma_start3A_200] : memref<655360x256xf32, #tpu.memory_space<hbm>> -> memref<256x256xf32, #tpu.memory_space<hbm>>
        tpu.enqueue_dma source(%arg6 : memref<256x256xf32, #tpu.memory_space<vmem>>) target(%dma_start3A_201 : memref<256x256xf32, #tpu.memory_space<hbm>>) target_semaphore(%run_scoped3A : memref<!tpu.dma_semaphore, #tpu.memory_space<semaphore_mem>>)
        %dma_wait3A_202 = arith.constant 0 : i32
        %dma_wait3A_203 = tpu.memref_slice %arg4[%multiple_of3A_154, %dma_wait3A_202] : memref<655360x256xf32, #tpu.memory_space<hbm>> -> memref<256x256xf32, #tpu.memory_space<hbm>>
        %dma_wait3A_204 = arith.constant 0 : i32
        %dma_wait3A_205 = tpu.memref_slice %arg4[%multiple_of3A_154, %dma_wait3A_204] : memref<655360x256xf32, #tpu.memory_space<hbm>> -> memref<256x256xf32, #tpu.memory_space<hbm>>
        tpu.wait_dma2 semaphore(%run_scoped3A : memref<!tpu.dma_semaphore, #tpu.memory_space<semaphore_mem>>) src(%arg6 : memref<256x256xf32, #tpu.memory_space<vmem>>) dst(%dma_wait3A_205 : memref<256x256xf32, #tpu.memory_space<hbm>>)
        tpu.yield
      }) : () -> ()
      %dma_start3A_155 = arith.constant 6 : i32
      %dma_start3A_156 = arith.constant 0 : i32
      %dma_start3A_157 = arith.constant 0 : i32
      %dma_start3A_158 = tpu.memref_slice %arg6[%dma_start3A_156, %dma_start3A_157] : memref<256x256xf32, #tpu.memory_space<vmem>> -> memref<128x256xf32, #tpu.memory_space<vmem>>
      %dma_start3A_159 = arith.constant 0 : i32
      %dma_start3A_160 = tpu.memref_slice %arg5[%dma_start3A_155, %dma_start3A_159] : memref<8x128xi32, #tpu.memory_space<vmem>> -> memref<1x128xi32, #tpu.memory_space<vmem>>
      %dma_start3A_161 = tpu.memref_squeeze %dma_start3A_160 : memref<1x128xi32, #tpu.memory_space<vmem>> -> memref<128xi32, #tpu.memory_space<vmem>>
      %dma_start3A_162 = arith.constant 0 : i32
      %dma_start3A_163 = arith.constant 0 : i32
      %dma_start3A_164 = tpu.memref_slice %arg2[%dma_start3A_162, %dma_start3A_163] : memref<10240x256xf32, #tpu.memory_space<hbm>> -> memref<10240x256xf32, #tpu.memory_space<hbm>>
      tpu.enqueue_indirect_dma source(%dma_start3A_164 : memref<10240x256xf32, #tpu.memory_space<hbm>>) target(%dma_start3A_158 : memref<128x256xf32, #tpu.memory_space<vmem>>) offsets(%dma_start3A_161 : memref<128xi32, #tpu.memory_space<vmem>>) semaphore(%arg7 : memref<!tpu.dma_semaphore, #tpu.memory_space<semaphore_mem>>)
      %dma_start3A_165 = arith.constant 7 : i32
      %dma_start3A_166 = arith.constant 128 : i32
      %dma_start3A_167 = arith.constant 0 : i32
      %dma_start3A_168 = tpu.memref_slice %arg6[%dma_start3A_166, %dma_start3A_167] : memref<256x256xf32, #tpu.memory_space<vmem>> -> memref<128x256xf32, #tpu.memory_space<vmem>>
      %dma_start3A_169 = arith.constant 0 : i32
      %dma_start3A_170 = tpu.memref_slice %arg5[%dma_start3A_165, %dma_start3A_169] : memref<8x128xi32, #tpu.memory_space<vmem>> -> memref<1x128xi32, #tpu.memory_space<vmem>>
      %dma_start3A_171 = tpu.memref_squeeze %dma_start3A_170 : memref<1x128xi32, #tpu.memory_space<vmem>> -> memref<128xi32, #tpu.memory_space<vmem>>
      %dma_start3A_172 = arith.constant 0 : i32
      %dma_start3A_173 = arith.constant 0 : i32
      %dma_start3A_174 = tpu.memref_slice %arg2[%dma_start3A_172, %dma_start3A_173] : memref<10240x256xf32, #tpu.memory_space<hbm>> -> memref<10240x256xf32, #tpu.memory_space<hbm>>
      tpu.enqueue_indirect_dma source(%dma_start3A_174 : memref<10240x256xf32, #tpu.memory_space<hbm>>) target(%dma_start3A_168 : memref<128x256xf32, #tpu.memory_space<vmem>>) offsets(%dma_start3A_171 : memref<128xi32, #tpu.memory_space<vmem>>) semaphore(%arg7 : memref<!tpu.dma_semaphore, #tpu.memory_space<semaphore_mem>>)
      %dma_wait3A_175 = arith.constant 6 : i32
      %dma_wait3A_176 = arith.constant 0 : i32
      %dma_wait3A_177 = arith.constant 0 : i32
      %dma_wait3A_178 = tpu.memref_slice %arg6[%dma_wait3A_176, %dma_wait3A_177] : memref<256x256xf32, #tpu.memory_space<vmem>> -> memref<128x256xf32, #tpu.memory_space<vmem>>
      %dma_wait3A_179 = arith.constant 0 : i32
      %dma_wait3A_180 = tpu.memref_slice %arg5[%dma_wait3A_175, %dma_wait3A_179] : memref<8x128xi32, #tpu.memory_space<vmem>> -> memref<1x128xi32, #tpu.memory_space<vmem>>
      %dma_wait3A_181 = tpu.memref_squeeze %dma_wait3A_180 : memref<1x128xi32, #tpu.memory_space<vmem>> -> memref<128xi32, #tpu.memory_space<vmem>>
      %dma_wait3A_182 = arith.constant 0 : i32
      %dma_wait3A_183 = arith.constant 0 : i32
      %dma_wait3A_184 = tpu.memref_slice %arg2[%dma_wait3A_182, %dma_wait3A_183] : memref<10240x256xf32, #tpu.memory_space<hbm>> -> memref<10240x256xf32, #tpu.memory_space<hbm>>
      tpu.wait_indirect_dma semaphore(%arg7 : memref<!tpu.dma_semaphore, #tpu.memory_space<semaphore_mem>>) src(%dma_wait3A_184 : memref<10240x256xf32, #tpu.memory_space<hbm>>) dst(%dma_wait3A_178 : memref<128x256xf32, #tpu.memory_space<vmem>>)
      %dma_wait3A_185 = arith.constant 7 : i32
      %dma_wait3A_186 = arith.constant 128 : i32
      %dma_wait3A_187 = arith.constant 0 : i32
      %dma_wait3A_188 = tpu.memref_slice %arg6[%dma_wait3A_186, %dma_wait3A_187] : memref<256x256xf32, #tpu.memory_space<vmem>> -> memref<128x256xf32, #tpu.memory_space<vmem>>
      %dma_wait3A_189 = arith.constant 0 : i32
      %dma_wait3A_190 = tpu.memref_slice %arg5[%dma_wait3A_185, %dma_wait3A_189] : memref<8x128xi32, #tpu.memory_space<vmem>> -> memref<1x128xi32, #tpu.memory_space<vmem>>
      %dma_wait3A_191 = tpu.memref_squeeze %dma_wait3A_190 : memref<1x128xi32, #tpu.memory_space<vmem>> -> memref<128xi32, #tpu.memory_space<vmem>>
      %dma_wait3A_192 = arith.constant 0 : i32
      %dma_wait3A_193 = arith.constant 0 : i32
      %dma_wait3A_194 = tpu.memref_slice %arg2[%dma_wait3A_192, %dma_wait3A_193] : memref<10240x256xf32, #tpu.memory_space<hbm>> -> memref<10240x256xf32, #tpu.memory_space<hbm>>
      tpu.wait_indirect_dma semaphore(%arg7 : memref<!tpu.dma_semaphore, #tpu.memory_space<semaphore_mem>>) src(%dma_wait3A_194 : memref<10240x256xf32, #tpu.memory_space<hbm>>) dst(%dma_wait3A_188 : memref<128x256xf32, #tpu.memory_space<vmem>>)
      %add3A_195 = arith.constant 768 : i32
      %add3A_196 = arith.addi %multiple_of3A, %add3A_195 : i32
      %multiple_of3A_197 = tpu.assume_multiple %add3A_196, 256 : i32
      "tpu.region"() ({
        %run_scoped3A = tpu.sem_alloc : memref<!tpu.dma_semaphore, #tpu.memory_space<semaphore_mem>>
        %dma_start3A_198 = arith.constant 0 : i32
        %dma_start3A_199 = tpu.memref_slice %arg4[%multiple_of3A_197, %dma_start3A_198] : memref<655360x256xf32, #tpu.memory_space<hbm>> -> memref<256x256xf32, #tpu.memory_space<hbm>>
        %dma_start3A_200 = arith.constant 0 : i32
        %dma_start3A_201 = tpu.memref_slice %arg4[%multiple_of3A_197, %dma_start3A_200] : memref<655360x256xf32, #tpu.memory_space<hbm>> -> memref<256x256xf32, #tpu.memory_space<hbm>>
        tpu.enqueue_dma source(%arg6 : memref<256x256xf32, #tpu.memory_space<vmem>>) target(%dma_start3A_201 : memref<256x256xf32, #tpu.memory_space<hbm>>) target_semaphore(%run_scoped3A : memref<!tpu.dma_semaphore, #tpu.memory_space<semaphore_mem>>)
        %dma_wait3A_202 = arith.constant 0 : i32
        %dma_wait3A_203 = tpu.memref_slice %arg4[%multiple_of3A_197, %dma_wait3A_202] : memref<655360x256xf32, #tpu.memory_space<hbm>> -> memref<256x256xf32, #tpu.memory_space<hbm>>
        %dma_wait3A_204 = arith.constant 0 : i32
        %dma_wait3A_205 = tpu.memref_slice %arg4[%multiple_of3A_197, %dma_wait3A_204] : memref<655360x256xf32, #tpu.memory_space<hbm>> -> memref<256x256xf32, #tpu.memory_space<hbm>>
        tpu.wait_dma2 semaphore(%run_scoped3A : memref<!tpu.dma_semaphore, #tpu.memory_space<semaphore_mem>>) src(%arg6 : memref<256x256xf32, #tpu.memory_space<vmem>>) dst(%dma_wait3A_205 : memref<256x256xf32, #tpu.memory_space<hbm>>)
        tpu.yield
      }) : () -> ()
    }
    %scan3A_6 = arith.constant 20 : i32
    return
  }
}

module attributes {stable_mosaic.version = 14 : i64} {
  func.func @_topk_body(%arg0: i32, %arg1: memref<256x8xf32, #tpu.memory_space<vmem>>, %arg2: memref<8x10240xf32, #tpu.memory_space<vmem>>, %arg3: memref<256x128xf32, #tpu.memory_space<vmem>>, %arg4: memref<256x16xf32, #tpu.memory_space<vmem>>, %arg5: memref<16x128xf32, #tpu.memory_space<vmem>>, %arg6: memref<256x64xi32, #tpu.memory_space<vmem>>, %arg7: memref<256x64xf32, #tpu.memory_space<vmem>>, %arg8: memref<256x256xf32, #tpu.memory_space<vmem>>, %arg9: memref<256x10240xf32, #tpu.memory_space<vmem>>) attributes {dimension_semantics = [#tpu.dimension_semantics<arbitrary>], iteration_bounds = array<i64: 40>, scalar_prefetch = 0 : i64, scratch_operands = 1 : i64, tpu.core_type = #tpu.core_type<tc>, window_params = [{transform_indices = @transform_0, window_bounds = array<i64: 256, 8>}, {pipeline_mode = #tpu.pipeline_mode<synchronous>, transform_indices = @transform_1, window_bounds = array<i64: 8, 10240>}, {transform_indices = @transform_2, window_bounds = array<i64: 256, 128>}, {transform_indices = @transform_3, window_bounds = array<i64: 256, 16>}, {pipeline_mode = #tpu.pipeline_mode<synchronous>, transform_indices = @transform_4, window_bounds = array<i64: 16, 128>}, {transform_indices = @transform_5, window_bounds = array<i64: 256, 64>}, {transform_indices = @transform_6, window_bounds = array<i64: 256, 64>}, {transform_indices = @transform_7, window_bounds = array<i64: 256, 256>}]} {
    %get3A = arith.constant 0 : index
    %get3A_0 = arith.constant 0 : index
    %get3A_1 = vector.load %arg3[%get3A, %get3A_0] : memref<256x128xf32, #tpu.memory_space<vmem>>, vector<256x128xf32>
    %swap3A = arith.constant 0 : index
    %swap3A_2 = arith.constant 0 : index
    %swap3A_3 = vector.load %arg8[%swap3A, %swap3A_2] : memref<256x256xf32, #tpu.memory_space<vmem>>, vector<256x128xf32>
    tpu.vector_store %arg8[%swap3A, %swap3A_2], %get3A_1 {strides = array<i32>} : memref<256x256xf32, #tpu.memory_space<vmem>>, vector<256x128xf32>,
    %get3A_4 = arith.constant 0 : index
    %get3A_5 = arith.constant 0 : index
    %get3A_6 = vector.load %arg4[%get3A_4, %get3A_5] : memref<256x16xf32, #tpu.memory_space<vmem>>, vector<256x16xf32>
    %get3A_7 = arith.constant 0 : index
    %get3A_8 = arith.constant 0 : index
    %get3A_9 = vector.load %arg5[%get3A_7, %get3A_8] : memref<16x128xf32, #tpu.memory_space<vmem>>, vector<16x128xf32>
    %dot_general3A = arith.constant dense<0.000000e+00> : vector<256x128xf32>
    %dot_general3A_10 = tpu.matmul %get3A_6, %get3A_9, %dot_general3A {dimension_numbers = #tpu.dot_dimension_numbers<[1], [0], [0], [1], [0, 0, 1, 1], [], []>, transpose_lhs_hint = false} : vector<256x16xf32>, vector<16x128xf32>, vector<256x128xf32> -> vector<256x128xf32>
    %swap3A_11 = arith.constant 0 : index
    %swap3A_12 = arith.constant 128 : index
    %swap3A_13 = vector.load %arg8[%swap3A_11, %swap3A_12] : memref<256x256xf32, #tpu.memory_space<vmem>>, vector<256x128xf32>
    tpu.vector_store %arg8[%swap3A_11, %swap3A_12], %dot_general3A_10 {strides = array<i32>} : memref<256x256xf32, #tpu.memory_space<vmem>>, vector<256x128xf32>,
    %get3A_14 = arith.constant 0 : index
    %get3A_15 = arith.constant 0 : index
    %get3A_16 = vector.load %arg1[%get3A_14, %get3A_15] : memref<256x8xf32, #tpu.memory_space<vmem>>, vector<256x8xf32>
    %get3A_17 = arith.constant 0 : index
    %get3A_18 = arith.constant 0 : index
    %get3A_19 = vector.load %arg2[%get3A_17, %get3A_18] : memref<8x10240xf32, #tpu.memory_space<vmem>>, vector<8x10240xf32>
    %dot_general3A_20 = arith.constant dense<0.000000e+00> : vector<256x10240xf32>
    %dot_general3A_21 = tpu.matmul %get3A_16, %get3A_19, %dot_general3A_20 {dimension_numbers = #tpu.dot_dimension_numbers<[1], [0], [0], [1], [0, 0, 1, 1], [], []>, transpose_lhs_hint = false} : vector<256x8xf32>, vector<8x10240xf32>, vector<256x10240xf32> -> vector<256x10240xf32>
    %mul3A = arith.mulf %get3A_16, %get3A_16 : vector<256x8xf32>
    %reduce_sum3A = arith.constant dense<0.000000e+00> : vector<256xf32>
    %reduce_sum3A_22 = vector.multi_reduction <add>, %mul3A, %reduce_sum3A [1] : vector<256x8xf32> to vector<256xf32>
    %broadcast_in_dim3A = vector.shape_cast %reduce_sum3A_22 : vector<256xf32> to vector<256x1xf32>
    %mul3A_23 = arith.mulf %get3A_19, %get3A_19 : vector<8x10240xf32>
    %reduce_sum3A_24 = arith.constant dense<0.000000e+00> : vector<10240xf32>
    %reduce_sum3A_25 = vector.multi_reduction <add>, %mul3A_23, %reduce_sum3A_24 [0] : vector<8x10240xf32> to vector<10240xf32>
    %broadcast_in_dim3A_26 = vector.shape_cast %reduce_sum3A_25 : vector<10240xf32> to vector<1x10240xf32>
    %add3A = vector.broadcast %broadcast_in_dim3A : vector<256x1xf32> to vector<256x10240xf32>
    %add3A_27 = vector.broadcast %broadcast_in_dim3A_26 : vector<1x10240xf32> to vector<256x10240xf32>
    %add3A_28 = arith.addf %add3A, %add3A_27 : vector<256x10240xf32>
    %mul3A_29 = arith.constant 2.000000e+00 : f32
    %mul3A_30 = vector.broadcast %mul3A_29 : f32 to vector<256x10240xf32>
    %mul3A_31 = arith.mulf %mul3A_30, %dot_general3A_21 : vector<256x10240xf32>
    %sub3A = arith.subf %add3A_28, %mul3A_31 : vector<256x10240xf32>
    %swap3A_32 = arith.constant 0 : index
    %swap3A_33 = arith.constant 0 : index
    %swap3A_34 = vector.load %arg9[%swap3A_32, %swap3A_33] : memref<256x10240xf32, #tpu.memory_space<vmem>>, vector<256x10240xf32>
    tpu.vector_store %arg9[%swap3A_32, %swap3A_33], %sub3A {strides = array<i32>} : memref<256x10240xf32, #tpu.memory_space<vmem>>, vector<256x10240xf32>,
    %iota3A = tpu.iota {dimensions = array<i32: 1>} : vector<256x10240xi32>
    %iota3A_35 = tpu.iota {dimensions = array<i32: 1>} : vector<256x64xi32>
    %broadcast_in_dim3A_36 = arith.constant 0 : i32
    %broadcast_in_dim3A_37 = vector.broadcast %broadcast_in_dim3A_36 : i32 to vector<256x64xi32>
    %swap3A_38 = arith.constant 0 : index
    %swap3A_39 = arith.constant 0 : index
    %swap3A_40 = vector.load %arg6[%swap3A_38, %swap3A_39] : memref<256x64xi32, #tpu.memory_space<vmem>>, vector<256x64xi32>
    tpu.vector_store %arg6[%swap3A_38, %swap3A_39], %broadcast_in_dim3A_37 {strides = array<i32>} : memref<256x64xi32, #tpu.memory_space<vmem>>, vector<256x64xi32>,
    %broadcast_in_dim3A_41 = arith.constant 0.000000e+00 : f32
    %broadcast_in_dim3A_42 = vector.broadcast %broadcast_in_dim3A_41 : f32 to vector<256x64xf32>
    %swap3A_43 = arith.constant 0 : index
    %swap3A_44 = arith.constant 0 : index
    %swap3A_45 = vector.load %arg7[%swap3A_43, %swap3A_44] : memref<256x64xf32, #tpu.memory_space<vmem>>, vector<256x64xf32>
    tpu.vector_store %arg7[%swap3A_43, %swap3A_44], %broadcast_in_dim3A_42 {strides = array<i32>} : memref<256x64xf32, #tpu.memory_space<vmem>>, vector<256x64xf32>,
    %scan3A = arith.constant 0 : i32
    %scan3A_46 = arith.constant 64 : i32
    %scan3A_47 = arith.addi %scan3A, %scan3A_46 : i32
    %scan3A_48 = arith.constant 1 : i32
    scf.for %scan3A_50 = %scan3A to %scan3A_47 step %scan3A_48  : i32 {
      %get3A_51 = arith.constant 0 : index
      %get3A_52 = arith.constant 0 : index
      %get3A_53 = vector.load %arg9[%get3A_51, %get3A_52] : memref<256x10240xf32, #tpu.memory_space<vmem>>, vector<256x10240xf32>
      %reduce_min3A = arith.constant dense<0x7F800000> : vector<256xf32>
      %reduce_min3A_54 = vector.multi_reduction <minimumf>, %get3A_53, %reduce_min3A [1] : vector<256x10240xf32> to vector<256xf32>
      %broadcast_in_dim3A_55 = vector.shape_cast %reduce_min3A_54 : vector<256xf32> to vector<256x1xf32>
      %eq3A = vector.broadcast %broadcast_in_dim3A_55 : vector<256x1xf32> to vector<256x10240xf32>
      %eq3A_56 = arith.cmpf oeq, %get3A_53, %eq3A : vector<256x10240xf32>
      %jit3A = arith.constant 1073741824 : i32
      %broadcast_in_dim3A_57 = vector.broadcast %jit3A : i32 to vector<256x10240xi32>
      %select_n3A = arith.select %eq3A_56, %iota3A, %broadcast_in_dim3A_57 : vector<256x10240xi1>, vector<256x10240xi32>
      %reduce_min3A_58 = arith.constant dense<2147483647> : vector<256xi32>
      %reduce_min3A_59 = vector.multi_reduction <minsi>, %select_n3A, %reduce_min3A_58 [1] : vector<256x10240xi32> to vector<256xi32>
      %broadcast_in_dim3A_60 = vector.shape_cast %reduce_min3A_59 : vector<256xi32> to vector<256x1xi32>
      %eq3A_61 = vector.broadcast %broadcast_in_dim3A_60 : vector<256x1xi32> to vector<256x10240xi32>
      %eq3A_62 = arith.cmpi eq, %iota3A, %eq3A_61 : vector<256x10240xi32>
      %jit3A_63 = arith.constant 1.000000e+30 : f32
      %broadcast_in_dim3A_64 = vector.broadcast %jit3A_63 : f32 to vector<256x10240xf32>
      %select_n3A_65 = arith.select %eq3A_62, %broadcast_in_dim3A_64, %get3A_53 : vector<256x10240xi1>, vector<256x10240xf32>
      %swap3A_66 = arith.constant 0 : index
      %swap3A_67 = arith.constant 0 : index
      %swap3A_68 = vector.load %arg9[%swap3A_66, %swap3A_67] : memref<256x10240xf32, #tpu.memory_space<vmem>>, vector<256x10240xf32>
      tpu.vector_store %arg9[%swap3A_66, %swap3A_67], %select_n3A_65 {strides = array<i32>} : memref<256x10240xf32, #tpu.memory_space<vmem>>, vector<256x10240xf32>,
      %eq3A_69 = vector.broadcast %scan3A_50 : i32 to vector<256x64xi32>
      %eq3A_70 = arith.cmpi eq, %iota3A_35, %eq3A_69 : vector<256x64xi32>
      %get3A_71 = arith.constant 0 : index
      %get3A_72 = arith.constant 0 : index
      %get3A_73 = vector.load %arg6[%get3A_71, %get3A_72] : memref<256x64xi32, #tpu.memory_space<vmem>>, vector<256x64xi32>
      %broadcast_in_dim3A_74 = vector.shape_cast %broadcast_in_dim3A_60 : vector<256x1xi32> to vector<256x1xi32>
      %broadcast_in_dim3A_75 = vector.broadcast %broadcast_in_dim3A_74 : vector<256x1xi32> to vector<256x64xi32>
      %select_n3A_76 = arith.select %eq3A_70, %broadcast_in_dim3A_75, %get3A_73 : vector<256x64xi1>, vector<256x64xi32>
      %swap3A_77 = arith.constant 0 : index
      %swap3A_78 = arith.constant 0 : index
      %swap3A_79 = vector.load %arg6[%swap3A_77, %swap3A_78] : memref<256x64xi32, #tpu.memory_space<vmem>>, vector<256x64xi32>
      tpu.vector_store %arg6[%swap3A_77, %swap3A_78], %select_n3A_76 {strides = array<i32>} : memref<256x64xi32, #tpu.memory_space<vmem>>, vector<256x64xi32>,
      %le3A = arith.constant 8.100000e-03 : f32
      %le3A_80 = vector.broadcast %le3A : f32 to vector<256x1xf32>
      %le3A_81 = arith.cmpf ole, %broadcast_in_dim3A_55, %le3A_80 : vector<256x1xf32>
      %jit3A_82 = arith.constant 1.000000e+00 : f32
      %jit3A_83 = arith.constant 0.000000e+00 : f32
      %broadcast_in_dim3A_84 = vector.broadcast %jit3A_82 : f32 to vector<256x1xf32>
      %broadcast_in_dim3A_85 = vector.broadcast %jit3A_83 : f32 to vector<256x1xf32>
      %select_n3A_86 = arith.select %le3A_81, %broadcast_in_dim3A_84, %broadcast_in_dim3A_85 : vector<256x1xi1>, vector<256x1xf32>
      %get3A_87 = arith.constant 0 : index
      %get3A_88 = arith.constant 0 : index
      %get3A_89 = vector.load %arg7[%get3A_87, %get3A_88] : memref<256x64xf32, #tpu.memory_space<vmem>>, vector<256x64xf32>
      %broadcast_in_dim3A_90 = vector.shape_cast %select_n3A_86 : vector<256x1xf32> to vector<256x1xf32>
      %broadcast_in_dim3A_91 = vector.broadcast %broadcast_in_dim3A_90 : vector<256x1xf32> to vector<256x64xf32>
      %select_n3A_92 = arith.select %eq3A_70, %broadcast_in_dim3A_91, %get3A_89 : vector<256x64xi1>, vector<256x64xf32>
      %swap3A_93 = arith.constant 0 : index
      %swap3A_94 = arith.constant 0 : index
      %swap3A_95 = vector.load %arg7[%swap3A_93, %swap3A_94] : memref<256x64xf32, #tpu.memory_space<vmem>>, vector<256x64xf32>
      tpu.vector_store %arg7[%swap3A_93, %swap3A_94], %select_n3A_92 {strides = array<i32>} : memref<256x64xf32, #tpu.memory_space<vmem>>, vector<256x64xf32>,
    }
    %scan3A_49 = arith.constant 64 : i32
    return
  }
  func.func @transform_0(%arg0: i32) -> (i32, i32) {
    %c0_i32 = arith.constant 0 : i32
    %c0_i32_0 = arith.constant 0 : i32
    return %arg0, %c0_i32 : i32, i32
  }
  func.func @transform_1(%arg0: i32) -> (i32, i32) {
    %c0_i32 = arith.constant 0 : i32
    %c0_i32_0 = arith.constant 0 : i32
    %c0_i32_1 = arith.constant 0 : i32
    return %c0_i32, %c0_i32_0 : i32, i32
  }
  func.func @transform_2(%arg0: i32) -> (i32, i32) {
    %c0_i32 = arith.constant 0 : i32
    %c0_i32_0 = arith.constant 0 : i32
    return %arg0, %c0_i32 : i32, i32
  }
  func.func @transform_3(%arg0: i32) -> (i32, i32) {
    %c0_i32 = arith.constant 0 : i32
    %c0_i32_0 = arith.constant 0 : i32
    return %arg0, %c0_i32 : i32, i32
  }
  func.func @transform_4(%arg0: i32) -> (i32, i32) {
    %c0_i32 = arith.constant 0 : i32
    %c0_i32_0 = arith.constant 0 : i32
    %c0_i32_1 = arith.constant 0 : i32
    return %c0_i32, %c0_i32_0 : i32, i32
  }
  func.func @transform_5(%arg0: i32) -> (i32, i32) {
    %c0_i32 = arith.constant 0 : i32
    %c0_i32_0 = arith.constant 0 : i32
    return %arg0, %c0_i32 : i32, i32
  }
  func.func @transform_6(%arg0: i32) -> (i32, i32) {
    %c0_i32 = arith.constant 0 : i32
    %c0_i32_0 = arith.constant 0 : i32
    return %arg0, %c0_i32 : i32, i32
  }
  func.func @transform_7(%arg0: i32) -> (i32, i32) {
    %c0_i32 = arith.constant 0 : i32
    %c0_i32_0 = arith.constant 0 : i32
    return %arg0, %c0_i32 : i32, i32
  }
}

module attributes {stable_mosaic.version = 14 : i64} {
  func.func @_edge_body(%arg0: i32, %arg1: memref<64x256xf32, #tpu.memory_space<vmem>>, %arg2: memref<4096x256xf32, #tpu.memory_space<vmem>>, %arg3: memref<64x64xf32, #tpu.memory_space<vmem>>, %arg4: memref<128x128xf32, #tpu.memory_space<vmem>>, %arg5: memref<128x128xf32, #tpu.memory_space<vmem>>, %arg6: memref<128x128xf32, #tpu.memory_space<vmem>>, %arg7: memref<1x128xf32, #tpu.memory_space<vmem>>, %arg8: memref<128x128xf32, #tpu.memory_space<vmem>>, %arg9: memref<1x128xf32, #tpu.memory_space<vmem>>, %arg10: memref<64x128xf32, #tpu.memory_space<vmem>>) attributes {dimension_semantics = [#tpu.dimension_semantics<arbitrary>], iteration_bounds = array<i64: 160>, scalar_prefetch = 0 : i64, scratch_operands = 0 : i64, tpu.core_type = #tpu.core_type<tc>, window_params = [{transform_indices = @transform_0, window_bounds = array<i64: 64, 256>}, {transform_indices = @transform_1, window_bounds = array<i64: 4096, 256>}, {transform_indices = @transform_2, window_bounds = array<i64: 64, 64>}, {pipeline_mode = #tpu.pipeline_mode<synchronous>, transform_indices = @transform_3, window_bounds = array<i64: 128, 128>}, {pipeline_mode = #tpu.pipeline_mode<synchronous>, transform_indices = @transform_4, window_bounds = array<i64: 128, 128>}, {pipeline_mode = #tpu.pipeline_mode<synchronous>, transform_indices = @transform_5, window_bounds = array<i64: 128, 128>}, {pipeline_mode = #tpu.pipeline_mode<synchronous>, transform_indices = @transform_6, window_bounds = array<i64: 1, 128>}, {pipeline_mode = #tpu.pipeline_mode<synchronous>, transform_indices = @transform_7, window_bounds = array<i64: 128, 128>}, {pipeline_mode = #tpu.pipeline_mode<synchronous>, transform_indices = @transform_8, window_bounds = array<i64: 1, 128>}, {transform_indices = @transform_9, window_bounds = array<i64: 64, 128>}]} {
    %get3A = arith.constant 0 : index
    %get3A_0 = arith.constant 0 : index
    %get3A_1 = vector.load %arg1[%get3A, %get3A_0] : memref<64x256xf32, #tpu.memory_space<vmem>>, vector<64x128xf32>
    %get3A_2 = arith.constant 0 : index
    %get3A_3 = arith.constant 128 : index
    %get3A_4 = vector.load %arg1[%get3A_2, %get3A_3] : memref<64x256xf32, #tpu.memory_space<vmem>>, vector<64x128xf32>
    %get3A_5 = arith.constant 0 : index
    %get3A_6 = arith.constant 0 : index
    %get3A_7 = vector.load %arg6[%get3A_5, %get3A_6] : memref<128x128xf32, #tpu.memory_space<vmem>>, vector<128x128xf32>
    %dot_general3A = arith.constant dense<0.000000e+00> : vector<64x128xf32>
    %dot_general3A_8 = tpu.matmul %get3A_1, %get3A_7, %dot_general3A {dimension_numbers = #tpu.dot_dimension_numbers<[1], [0], [0], [1], [0, 0, 1, 1], [], []>, transpose_lhs_hint = false} : vector<64x128xf32>, vector<128x128xf32>, vector<64x128xf32> -> vector<64x128xf32>
    %get3A_9 = arith.constant 0 : index
    %get3A_10 = arith.constant 0 : index
    %get3A_11 = vector.load %arg2[%get3A_9, %get3A_10] : memref<4096x256xf32, #tpu.memory_space<vmem>>, vector<4096x128xf32>
    %get3A_12 = arith.constant 0 : index
    %get3A_13 = arith.constant 128 : index
    %get3A_14 = vector.load %arg2[%get3A_12, %get3A_13] : memref<4096x256xf32, #tpu.memory_space<vmem>>, vector<4096x128xf32>
    %get3A_15 = arith.constant 0 : index
    %get3A_16 = arith.constant 0 : index
    %get3A_17 = vector.load %arg4[%get3A_15, %get3A_16] : memref<128x128xf32, #tpu.memory_space<vmem>>, vector<128x128xf32>
    %dot_general3A_18 = arith.constant dense<0.000000e+00> : vector<4096x128xf32>
    %dot_general3A_19 = tpu.matmul %get3A_11, %get3A_17, %dot_general3A_18 {dimension_numbers = #tpu.dot_dimension_numbers<[1], [0], [0], [1], [0, 0, 1, 1], [], []>, transpose_lhs_hint = false} : vector<4096x128xf32>, vector<128x128xf32>, vector<4096x128xf32> -> vector<4096x128xf32>
    %get3A_20 = arith.constant 0 : index
    %get3A_21 = arith.constant 0 : index
    %get3A_22 = vector.load %arg5[%get3A_20, %get3A_21] : memref<128x128xf32, #tpu.memory_space<vmem>>, vector<128x128xf32>
    %dot_general3A_23 = arith.constant dense<0.000000e+00> : vector<4096x128xf32>
    %dot_general3A_24 = tpu.matmul %get3A_11, %get3A_22, %dot_general3A_23 {dimension_numbers = #tpu.dot_dimension_numbers<[1], [0], [0], [1], [0, 0, 1, 1], [], []>, transpose_lhs_hint = false} : vector<4096x128xf32>, vector<128x128xf32>, vector<4096x128xf32> -> vector<4096x128xf32>
    %get3A_25 = arith.constant 0 : index
    %get3A_26 = arith.constant 0 : index
    %get3A_27 = vector.load %arg7[%get3A_25, %get3A_26] : memref<1x128xf32, #tpu.memory_space<vmem>>, vector<1x128xf32>
    %reshape3A = vector.shape_cast %get3A_27 : vector<1x128xf32> to vector<1x1x128xf32>
    %broadcast_in_dim3A = vector.shape_cast %get3A_4 : vector<64x128xf32> to vector<64x1x128xf32>
    %reshape3A_28 = vector.shape_cast %get3A_14 : vector<4096x128xf32> to vector<64x64x128xf32>
    %sub3A = vector.broadcast %broadcast_in_dim3A : vector<64x1x128xf32> to vector<64x64x128xf32>
    %sub3A_29 = arith.subf %sub3A, %reshape3A_28 : vector<64x64x128xf32>
    %add3A = vector.broadcast %reshape3A : vector<1x1x128xf32> to vector<64x64x128xf32>
    %add3A_30 = arith.addf %sub3A_29, %add3A : vector<64x64x128xf32>
    %max3A = arith.constant 0.000000e+00 : f32
    %max3A_31 = vector.broadcast %max3A : f32 to vector<64x64x128xf32>
    %max3A_32 = arith.maximumf %add3A_30, %max3A_31 : vector<64x64x128xf32>
    %broadcast_in_dim3A_33 = vector.shape_cast %dot_general3A_8 : vector<64x128xf32> to vector<64x1x128xf32>
    %reshape3A_34 = vector.shape_cast %dot_general3A_24 : vector<4096x128xf32> to vector<64x64x128xf32>
    %sub3A_35 = vector.broadcast %broadcast_in_dim3A_33 : vector<64x1x128xf32> to vector<64x64x128xf32>
    %sub3A_36 = arith.subf %sub3A_35, %reshape3A_34 : vector<64x64x128xf32>
    %add3A_37 = arith.addf %sub3A_36, %max3A_32 : vector<64x64x128xf32>
    %reshape3A_38 = vector.shape_cast %add3A_37 : vector<64x64x128xf32> to vector<4096x128xf32>
    %get3A_39 = arith.constant 0 : index
    %get3A_40 = arith.constant 0 : index
    %get3A_41 = vector.load %arg8[%get3A_39, %get3A_40] : memref<128x128xf32, #tpu.memory_space<vmem>>, vector<128x128xf32>
    %dot_general3A_42 = arith.constant dense<0.000000e+00> : vector<4096x128xf32>
    %dot_general3A_43 = tpu.matmul %reshape3A_38, %get3A_41, %dot_general3A_42 {dimension_numbers = #tpu.dot_dimension_numbers<[1], [0], [0], [1], [0, 0, 1, 1], [], []>, transpose_lhs_hint = false} : vector<4096x128xf32>, vector<128x128xf32>, vector<4096x128xf32> -> vector<4096x128xf32>
    %get3A_44 = arith.constant 0 : index
    %get3A_45 = arith.constant 0 : index
    %get3A_46 = vector.load %arg9[%get3A_44, %get3A_45] : memref<1x128xf32, #tpu.memory_space<vmem>>, vector<1x128xf32>
    %add3A_47 = vector.broadcast %get3A_46 : vector<1x128xf32> to vector<4096x128xf32>
    %add3A_48 = arith.addf %dot_general3A_43, %add3A_47 : vector<4096x128xf32>
    %max3A_49 = arith.constant 0.000000e+00 : f32
    %max3A_50 = vector.broadcast %max3A_49 : f32 to vector<4096x128xf32>
    %max3A_51 = arith.maximumf %add3A_48, %max3A_50 : vector<4096x128xf32>
    %iota3A = tpu.iota {dimensions = array<i32: 0>} : vector<4096x64xi32>
    %iota3A_52 = tpu.iota {dimensions = array<i32: 1>} : vector<4096x64xi32>
    %jit3A = arith.constant 64 : i32
    %div3A = vector.broadcast %jit3A : i32 to vector<4096x64xi32>
    %div3A_53 = arith.divsi %iota3A, %div3A : vector<4096x64xi32>
    %sign3A = arith.constant 0 : i32
    %sign3A_54 = vector.broadcast %sign3A : i32 to vector<4096x64xi32>
    %sign3A_55 = arith.cmpi sgt, %iota3A, %sign3A_54 : vector<4096x64xi32>
    %sign3A_56 = arith.extui %sign3A_55 : vector<4096x64xi1> to vector<4096x64xi32>
    %sign3A_57 = arith.constant 0 : i32
    %sign3A_58 = vector.broadcast %sign3A_57 : i32 to vector<4096x64xi32>
    %sign3A_59 = arith.cmpi slt, %iota3A, %sign3A_58 : vector<4096x64xi32>
    %sign3A_60 = arith.extui %sign3A_59 : vector<4096x64xi1> to vector<4096x64xi32>
    %sign3A_61 = arith.subi %sign3A_56, %sign3A_60 : vector<4096x64xi32>
    %sign3A_62 = arith.constant 0 : i32
    %sign3A_63 = arith.cmpi sgt, %jit3A, %sign3A_62 : i32
    %sign3A_64 = arith.extui %sign3A_63 : i1 to i32
    %sign3A_65 = arith.constant 0 : i32
    %sign3A_66 = arith.cmpi slt, %jit3A, %sign3A_65 : i32
    %sign3A_67 = arith.extui %sign3A_66 : i1 to i32
    %sign3A_68 = arith.subi %sign3A_64, %sign3A_67 : i32
    %ne3A = vector.broadcast %sign3A_68 : i32 to vector<4096x64xi32>
    %ne3A_69 = arith.cmpi ne, %sign3A_61, %ne3A : vector<4096x64xi32>
    %rem3A = vector.broadcast %jit3A : i32 to vector<4096x64xi32>
    %rem3A_70 = arith.remsi %iota3A, %rem3A : vector<4096x64xi32>
    %ne3A_71 = arith.constant 0 : i32
    %ne3A_72 = vector.broadcast %ne3A_71 : i32 to vector<4096x64xi32>
    %ne3A_73 = arith.cmpi ne, %rem3A_70, %ne3A_72 : vector<4096x64xi32>
    %and3A = arith.andi %ne3A_69, %ne3A_73 : vector<4096x64xi1>
    %sub3A_74 = arith.constant 1 : i32
    %sub3A_75 = vector.broadcast %sub3A_74 : i32 to vector<4096x64xi32>
    %sub3A_76 = arith.subi %div3A_53, %sub3A_75 : vector<4096x64xi32>
    %select_n3A = arith.select %and3A, %sub3A_76, %div3A_53 : vector<4096x64xi1>, vector<4096x64xi32>
    %eq3A = arith.cmpi eq, %select_n3A, %iota3A_52 : vector<4096x64xi32>
    %convert_element_type3A = arith.extui %eq3A : vector<4096x64xi1> to vector<4096x64xi32>
    %convert_element_type3A_77 = arith.sitofp %convert_element_type3A : vector<4096x64xi32> to vector<4096x64xf32>
    %iota3A_78 = tpu.iota {dimensions = array<i32: 0>} : vector<4096x64xi32>
    %iota3A_79 = tpu.iota {dimensions = array<i32: 1>} : vector<4096x64xi32>
    %jit3A_80 = arith.constant 64 : i32
    %eq3A_81 = arith.constant 0 : i32
    %eq3A_82 = arith.cmpi eq, %jit3A_80, %eq3A_81 : i32
    %jit3A_83 = arith.constant 1 : i32
    %select_n3A_84 = arith.select %eq3A_82, %jit3A_83, %jit3A_80 : i32
    %rem3A_85 = vector.broadcast %select_n3A_84 : i32 to vector<4096x64xi32>
    %rem3A_86 = arith.remsi %iota3A_78, %rem3A_85 : vector<4096x64xi32>
    %ne3A_87 = arith.constant 0 : i32
    %ne3A_88 = vector.broadcast %ne3A_87 : i32 to vector<4096x64xi32>
    %ne3A_89 = arith.cmpi ne, %rem3A_86, %ne3A_88 : vector<4096x64xi32>
    %lt3A = arith.constant 0 : i32
    %lt3A_90 = vector.broadcast %lt3A : i32 to vector<4096x64xi32>
    %lt3A_91 = arith.cmpi slt, %rem3A_86, %lt3A_90 : vector<4096x64xi32>
    %lt3A_92 = arith.constant 0 : i32
    %lt3A_93 = arith.cmpi slt, %select_n3A_84, %lt3A_92 : i32
    %ne3A_94 = vector.broadcast %lt3A_93 : i1 to vector<4096x64xi1>
    %ne3A_95 = vector.broadcast %ne3A_94 : vector<4096x64xi1> to vector<4096x64xi1>
    %ne3A_96 = arith.xori %lt3A_91, %ne3A_95 : vector<4096x64xi1>
    %and3A_97 = arith.andi %ne3A_96, %ne3A_89 : vector<4096x64xi1>
    %add3A_98 = vector.broadcast %select_n3A_84 : i32 to vector<4096x64xi32>
    %add3A_99 = arith.addi %rem3A_86, %add3A_98 : vector<4096x64xi32>
    %select_n3A_100 = arith.select %and3A_97, %add3A_99, %rem3A_86 : vector<4096x64xi1>, vector<4096x64xi32>
    %eq3A_101 = arith.cmpi eq, %select_n3A_100, %iota3A_79 : vector<4096x64xi32>
    %convert_element_type3A_102 = arith.extui %eq3A_101 : vector<4096x64xi1> to vector<4096x64xi32>
    %convert_element_type3A_103 = arith.sitofp %convert_element_type3A_102 : vector<4096x64xi32> to vector<4096x64xf32>
    %get3A_104 = arith.constant 0 : index
    %get3A_105 = arith.constant 0 : index
    %get3A_106 = vector.load %arg3[%get3A_104, %get3A_105] : memref<64x64xf32, #tpu.memory_space<vmem>>, vector<64x64xf32>
    %dot_general3A_107 = arith.constant dense<0.000000e+00> : vector<4096x64xf32>
    %dot_general3A_108 = tpu.matmul %convert_element_type3A_77, %get3A_106, %dot_general3A_107 {dimension_numbers = #tpu.dot_dimension_numbers<[1], [0], [0], [1], [0, 0, 1, 1], [], []>, transpose_lhs_hint = false} : vector<4096x64xf32>, vector<64x64xf32>, vector<4096x64xf32> -> vector<4096x64xf32>
    %mul3A = arith.mulf %dot_general3A_108, %convert_element_type3A_103 : vector<4096x64xf32>
    %reduce_sum3A = arith.constant dense<0.000000e+00> : vector<4096xf32>
    %reduce_sum3A_109 = vector.multi_reduction <add>, %mul3A, %reduce_sum3A [1] : vector<4096x64xf32> to vector<4096xf32>
    %broadcast_in_dim3A_110 = vector.shape_cast %reduce_sum3A_109 : vector<4096xf32> to vector<4096x1xf32>
    %sub3A_111 = arith.constant 1.000000e+00 : f32
    %sub3A_112 = vector.broadcast %sub3A_111 : f32 to vector<4096x1xf32>
    %sub3A_113 = arith.subf %broadcast_in_dim3A_110, %sub3A_112 : vector<4096x1xf32>
    %mul3A_114 = arith.constant 1.000000e+30 : f32
    %mul3A_115 = vector.broadcast %mul3A_114 : f32 to vector<4096x1xf32>
    %mul3A_116 = arith.mulf %sub3A_113, %mul3A_115 : vector<4096x1xf32>
    %broadcast_in_dim3A_117 = vector.shape_cast %mul3A_116 : vector<4096x1xf32> to vector<4096x1xf32>
    %broadcast_in_dim3A_118 = vector.broadcast %broadcast_in_dim3A_117 : vector<4096x1xf32> to vector<4096x128xf32>
    %add3A_119 = arith.addf %max3A_51, %broadcast_in_dim3A_118 : vector<4096x128xf32>
    %reshape3A_120 = vector.shape_cast %add3A_119 : vector<4096x128xf32> to vector<64x64x128xf32>
    %reduce_max3A = arith.constant dense<0xFF800000> : vector<64x128xf32>
    %reduce_max3A_121 = vector.multi_reduction <maximumf>, %reshape3A_120, %reduce_max3A [1] : vector<64x64x128xf32> to vector<64x128xf32>
    %broadcast_in_dim3A_122 = vector.shape_cast %reduce_max3A_121 : vector<64x128xf32> to vector<64x1x128xf32>
    %sub3A_123 = vector.broadcast %broadcast_in_dim3A_122 : vector<64x1x128xf32> to vector<64x64x128xf32>
    %sub3A_124 = arith.subf %reshape3A_120, %sub3A_123 : vector<64x64x128xf32>
    %exp3A = math.exp %sub3A_124 : vector<64x64x128xf32>
    %reduce_sum3A_125 = arith.constant dense<0.000000e+00> : vector<64x128xf32>
    %reduce_sum3A_126 = vector.multi_reduction <add>, %exp3A, %reduce_sum3A_125 [1] : vector<64x64x128xf32> to vector<64x128xf32>
    %broadcast_in_dim3A_127 = vector.shape_cast %reduce_sum3A_126 : vector<64x128xf32> to vector<64x1x128xf32>
    %div3A_128 = vector.broadcast %broadcast_in_dim3A_127 : vector<64x1x128xf32> to vector<64x64x128xf32>
    %div3A_129 = arith.divf %exp3A, %div3A_128 : vector<64x64x128xf32>
    %reshape3A_130 = vector.shape_cast %dot_general3A_19 : vector<4096x128xf32> to vector<64x64x128xf32>
    %add3A_131 = arith.addf %reshape3A_130, %max3A_32 : vector<64x64x128xf32>
    %mul3A_132 = arith.mulf %div3A_129, %add3A_131 : vector<64x64x128xf32>
    %reduce_sum3A_133 = arith.constant dense<0.000000e+00> : vector<64x128xf32>
    %reduce_sum3A_134 = vector.multi_reduction <add>, %mul3A_132, %reduce_sum3A_133 [1] : vector<64x64x128xf32> to vector<64x128xf32>
    %swap3A = arith.constant 0 : index
    %swap3A_135 = arith.constant 0 : index
    %swap3A_136 = vector.load %arg10[%swap3A, %swap3A_135] : memref<64x128xf32, #tpu.memory_space<vmem>>, vector<64x128xf32>
    tpu.vector_store %arg10[%swap3A, %swap3A_135], %reduce_sum3A_134 {strides = array<i32>} : memref<64x128xf32, #tpu.memory_space<vmem>>, vector<64x128xf32>,
    return
  }
  func.func @transform_0(%arg0: i32) -> (i32, i32) {
    %c0_i32 = arith.constant 0 : i32
    %c0_i32_0 = arith.constant 0 : i32
    return %arg0, %c0_i32 : i32, i32
  }
  func.func @transform_1(%arg0: i32) -> (i32, i32) {
    %c0_i32 = arith.constant 0 : i32
    %c0_i32_0 = arith.constant 0 : i32
    return %arg0, %c0_i32 : i32, i32
  }
  func.func @transform_2(%arg0: i32) -> (i32, i32) {
    %c0_i32 = arith.constant 0 : i32
    %c0_i32_0 = arith.constant 0 : i32
    return %arg0, %c0_i32 : i32, i32
  }
  func.func @transform_3(%arg0: i32) -> (i32, i32) {
    %c0_i32 = arith.constant 0 : i32
    %c0_i32_0 = arith.constant 0 : i32
    %c0_i32_1 = arith.constant 0 : i32
    return %c0_i32, %c0_i32_0 : i32, i32
  }
  func.func @transform_4(%arg0: i32) -> (i32, i32) {
    %c0_i32 = arith.constant 0 : i32
    %c0_i32_0 = arith.constant 0 : i32
    %c0_i32_1 = arith.constant 0 : i32
    return %c0_i32, %c0_i32_0 : i32, i32
  }
  func.func @transform_5(%arg0: i32) -> (i32, i32) {
    %c0_i32 = arith.constant 0 : i32
    %c0_i32_0 = arith.constant 0 : i32
    %c0_i32_1 = arith.constant 0 : i32
    return %c0_i32, %c0_i32_0 : i32, i32
  }
  func.func @transform_6(%arg0: i32) -> (i32, i32) {
    %c0_i32 = arith.constant 0 : i32
    %c0_i32_0 = arith.constant 0 : i32
    %c0_i32_1 = arith.constant 0 : i32
    return %c0_i32, %c0_i32_0 : i32, i32
  }
  func.func @transform_7(%arg0: i32) -> (i32, i32) {
    %c0_i32 = arith.constant 0 : i32
    %c0_i32_0 = arith.constant 0 : i32
    %c0_i32_1 = arith.constant 0 : i32
    return %c0_i32, %c0_i32_0 : i32, i32
  }
  func.func @transform_8(%arg0: i32) -> (i32, i32) {
    %c0_i32 = arith.constant 0 : i32
    %c0_i32_0 = arith.constant 0 : i32
    %c0_i32_1 = arith.constant 0 : i32
    return %c0_i32, %c0_i32_0 : i32, i32
  }
  func.func @transform_9(%arg0: i32) -> (i32, i32) {
    %c0_i32 = arith.constant 0 : i32
    %c0_i32_0 = arith.constant 0 : i32
    return %arg0, %c0_i32 : i32, i32
  }
}

</mosaic_0001>

<sc_bundles>
// kernel: kernel.5.cloned.1.call-start
scs
__scs_entry_jumppad:
0x0: {  	(pc) =	sbr.rel $0x88, $3  }
0x1: {  	(tag) =	ssettag $0x0;
	lr =	simm.s32 $0x1  }
0x2: {  	[smem:$0x3F93] =	sst lr;
	_ =	strace $0xD0000000  }
0x3: {  	_ = 	snop  }
0x4: {  	_ = 	snop  }
0x5: {  	_ = 	snop  }
0x6: {  	_ = 	snop  }
0x7: {  	_ = 	snop  }
__scs_overlays_trampoline_lowered:
0x8: {  	[smem:$0x3FA2] =	sst s0  }
0x9: {  	[smem:$0x3FA3] =	sst s1  }
0xa: {  	[smem:$0x3FA4] =	sst s2  }
0xb: {  	[smem:$0x3FA5] =	sst s3  }
0xc: {  	[smem:$0x3FA6] =	sst s4  }
0xd: {  	[smem:$0x3FA7] =	sst s5  }
0xe: {  	[smem:$0x3FA8] =	sst s6  }
0xf: {  	[smem:$0x3FA9] =	sst s7  }
0x10: {  	[smem:$0x3FAA] =	sst s8  }
0x11: {  	[smem:$0x3FAB] =	sst s9;
	s0 =	simm.s32 @!p0 $0x0  }
0x12: {  	s1 =	sld [smem:$0x3F91];
	s0 =	simm.s32 @p0 $0x1  }
0x13: {  	[smem:$0x3FAC] =	sst s0;
	s0 =	simm.s32 @!p1 $0x0  }
0x14: {  	s2 =	sld [smem:$0x3F90];
	s0 =	simm.s32 @p1 $0x1  }
0x15: {  	[smem:$0x3FAD] =	sst s0;
	s0 =	simm.s32 @!p2 $0x0  }
0x16: {  	s3 =	sld [smem:$0x3FDB];
	s0 =	simm.s32 @p2 $0x1  }
0x17: {  	s4 =	simm.s32 $0x1BF5;
	[smem:$0x3FAF] =	sst s0  }
0x18: {  	s0 =	sld [smem:$0x3F92];
	_ =	swait.ge [sflag:s4], $0x0  }
0x19: {  	s7 =	sld [smem:$0x3F93]  }
0x1a: {  	s8 =	sadd.s32 $0xFFFFE003, lr  }
0x1b: {  	s9 =	sadd.s32 $0xFFFFFEF7, lr;
	s5 =	simm.s32 $0xFFFFFFFF;
	p2 =	slt.u32 s8, $0xFFFFF086  }
0x1c: {  	p1 =	slt.u32 s9, $0xF7A;
	s5 =	simm.s32 @!p2 $0x0  }
0x1d: {  	s5 =	simm.s32 @p1 $0x1;
	p0 =	seq.s32 s7, s2  }
0x1e: {  	s7 =	smul.u32 @!p0 $0xF7A, s2;
	p2 =	seq.s32 @!p0 s5, $0x0  }
0x1f: {  	s9 =	smul.u32 $0xF7A, s1;
	s8 =	simm.s32 @!p0 $0x1BF5;
	p2 =	por !p2, p0  }
0x20: {  	[sflag:s8] =	ssyncset.s32 @!p0 $0xFFFFF086;
	s6 =	sadd.s32 @!p0 s3, s7;
	s7 =	simm.s32 @!p0 $0x108  }
0x21: {  	s3 =	sadd.s32 s3, s9;
	s6 =	sadd.s32 @!p0 $0x88, s6;
	s7 =	simm.s32 @p2 $0x1082  }
0x22: {  	[simem:s7], [sflag:s8] =	dma.local @!p0 [hbm:s6], $0xF7A  }
0x23: {  	s9 =	sor.u32 $0xD0000000, s2;
	s6 =	simm.s32 $0x108;
	_ =	swait.ge @!p0 [sflag:s8], $0x0  }
0x24: {  	s3 =	sadd.s32 $0x88, s3;
	s6 =	simm.s32 @!p1 $0x1082;
	[sflag:s4] =	ssyncset.s32 $0xFFFFF086  }
0x25: {  	[simem:s6], [sflag:s4] =	dma.local [hbm:s3], $0xF7A  }
0x26: {  	[smem:$0x3F93] =	sst s1;
	(tag) =	ssettag s2;
	_ =	strace s9  }
0x27: {  	s1 =	sld [smem:$0x3FA3]  }
0x28: {  	s2 =	sld [smem:$0x3FA4]  }
0x29: {  	s4 =	sld [smem:$0x3FA6]  }
0x2a: {  	p0 =	seq.s32 s5, $0x0;
	s5 =	sld [smem:$0x3FA7]  }
0x2b: {  	s6 =	sld [smem:$0x3FA8]  }
0x2c: {  	s7 =	sld [smem:$0x3FA9]  }
0x2d: {  	s3 =	simm.s32 $0x108;
	s8 =	sld [smem:$0x3FAA]  }
0x2e: {  	s3 =	simm.s32 @!p0 $0x1082;
	s9 =	sld [smem:$0x3FAB]  }
0x2f: {  	lr =	sadd.s32 s0, s3;
	s0 =	sld [smem:$0x3FA2]  }
0x30: {  	s3 =	sld [smem:$0x3FA5]  }
0x31: {  	[smem:$0x3FAE] =	sst s10  }
0x32: {  	s10 =	sld [smem:$0x3FAC];
	_ =	sdelay $0x3  }
0x33: {  	p0 =	seq.s32 s10, $0x1;
	s10 =	sld [smem:$0x3FAE];
	_ =	sdelay $0x3  }
0x34: {  	[smem:$0x3FAE] =	sst s10  }
0x35: {  	s10 =	sld [smem:$0x3FAD];
	_ =	sdelay $0x3  }
0x36: {  	p1 =	seq.s32 s10, $0x1;
	s10 =	sld [smem:$0x3FAE];
	_ =	sdelay $0x3  }
0x37: {  	[smem:$0x3FAE] =	sst s10  }
0x38: {  	s10 =	sld [smem:$0x3FAF]  }
0x39: {  	_ = 	snop;
	(pc) =	sbr.ind lr, $3  }
0x3a: {  	_ = 	snop  }
0x3b: {  	_ = 	snop  }
0x3c: {  	p2 =	seq.s32 s10, $0x1;
	s10 =	sld [smem:$0x3FAE]  }
0x3d: {  	_ =	shalt  }
0x3e: {  	_ =	shalt  }
0x3f: {  	_ =	shalt  }
0x40: {  	_ =	shalt  }
0x41: {  	_ =	shalt  }
0x42: {  	_ =	shalt  }
0x43: {  	_ =	shalt  }
0x44: {  	_ =	shalt  }
0x45: {  	_ =	shalt  }
0x46: {  	_ =	shalt  }
0x47: {  	_ =	shalt  }
0x48: {  	_ =	shalt  }
0x49: {  	_ =	shalt  }
0x4a: {  	_ =	shalt  }
0x4b: {  	_ =	shalt  }
0x4c: {  	_ =	shalt  }
0x4d: {  	_ =	shalt  }
0x4e: {  	_ =	shalt  }
0x4f: {  	_ =	shalt  }
0x50: {  	_ =	shalt  }
0x51: {  	_ =	shalt  }
0x52: {  	_ =	shalt  }
0x53: {  	_ =	shalt  }
0x54: {  	_ =	shalt  }
0x55: {  	_ =	shalt  }
0x56: {  	_ =	shalt  }
0x57: {  	_ =	shalt  }
0x58: {  	_ =	shalt  }
0x59: {  	_ =	shalt  }
0x5a: {  	_ =	shalt  }
0x5b: {  	_ =	shalt  }
0x5c: {  	_ =	shalt  }
0x5d: {  	_ =	shalt  }
0x5e: {  	_ =	shalt  }
0x5f: {  	_ =	shalt  }
0x60: {  	_ =	shalt  }
0x61: {  	_ =	shalt  }
0x62: {  	_ =	shalt  }
0x63: {  	_ =	shalt  }
0x64: {  	_ =	shalt  }
0x65: {  	_ =	shalt  }
0x66: {  	_ =	shalt  }
0x67: {  	_ =	shalt  }
0x68: {  	_ =	shalt  }
0x69: {  	_ =	shalt  }
0x6a: {  	_ =	shalt  }
0x6b: {  	_ =	shalt  }
0x6c: {  	_ =	shalt  }
0x6d: {  	_ =	shalt  }
0x6e: {  	_ =	shalt  }
0x6f: {  	_ =	shalt  }
0x70: {  	_ =	shalt  }
0x71: {  	_ =	shalt  }
0x72: {  	_ =	shalt  }
0x73: {  	_ =	shalt  }
0x74: {  	_ =	shalt  }
0x75: {  	_ =	shalt  }
0x76: {  	_ =	shalt  }
0x77: {  	_ =	shalt  }
0x78: {  	_ =	shalt  }
0x79: {  	_ =	shalt  }
0x7a: {  	_ =	shalt  }
0x7b: {  	_ =	shalt  }
0x7c: {  	_ =	shalt  }
0x7d: {  	_ =	shalt  }
0x7e: {  	_ =	shalt  }
0x7f: {  	_ =	shalt  }
0x80: {  	_ =	shalt  }
0x81: {  	_ =	shalt  }
0x82: {  	_ =	shalt  }
0x83: {  	_ =	shalt  }
0x84: {  	_ =	shalt  }
0x85: {  	_ =	shalt  }
0x86: {  	_ =	shalt  }
0x87: {  	_ =	shalt  }
.Lfunc_end0:
.L_simem_size_0:
called_computation_lowered:
.L_overlay_start_0:
0x88: {  	s2 =	sld [smem:$0x3FD9]  }
0x89: {  	s3 =	sld [smem:$0x3FFE];
	_ =	sdelay $0x1  }
0x8a: {  	s1 =	srdreg.scid  }
0x8b: {  	s0 =	sand.u32 $0x1, s1  }
0x8c: {  	s17 =	sshll.u32 s0, $0xA;
	s2 =	sadd.s32 s3, s2  }
0x8d: {  	s2 =	sadd.s32 s2, s17  }
0x8e: {  	[smem:$0x3FBA] =	sst s2  }
0x8f: {  	_ = 	snop  }
0x90: {  	s2 =	sld [smem:$0x3FD0];
	(tm) =	ssettm $0x1  }
0x91: {  	s18 =	sld [smem:$0x3FFB];
	_ =	sdelay $0x3  }
0x92: {  	_ =	strace s18  }
0x93: {  	s3 =	sld [smem:$0x3FFC];
	_ =	sdelay $0x3  }
0x94: {  	_ =	strace s3  }
0x95: {  	s3 =	sld [smem:$0x3FFD];
	_ =	sdelay $0x3  }
0x96: {  	_ =	strace s3  }
0x97: {  	_ =	strace $0x8FFFFFFF  }
0x98: {  	s19 =	sld [smem:$0x3FDB];
	_ =	sdelay $0x1  }
0x99: {  	s4 =	simm.s32 $_scs_section_size  }
0x9a: {  	s5 =	simm.s32 $_size__tile_overlayer_lowered;
	s6 =	simm.s32 $_tile_overlayer_lowered  }
0x9b: {  	s22 =	simm.s32 $0x1BFF;
	s21 =	sshll.u32 s6, $0x1;
	s3 =	sadd.s32 s4, s19  }
0x9c: {  	s7 =	simm.s32 $0x0;
	s20 =	sshll.u32 s5, $0x1;
	s5 =	sadd.s32 s21, s3  }
0x9d: {  	[timem:s7], [sflag:s22] =	dma.local [hbm:s5], s20  }
0x9e: {  	_ =	swait.ge [sflag:s22], s20  }
0x9f: {  	s4 =	ssub.s32 $0x0, s20;
	[sflag:s22] =	ssyncset.done $0x0  }
0xa0: {  	[sflag:s22] =	ssyncadd.s32 s4;
	_ =	sdelay $0x1  }
0xa1: {  	s23 =	simm.s32 $0x1B8B  }
0xa2: {  	_ =	swait.ge [sflag:s23], $0x1  }
0xa3: {  	[sflag:s23] =	ssyncset.done $0x0  }
0xa4: {  	s25 =	simm.s32 $0x1B8E;
	s24 =	sld [smem:$0x3FFE];
	[sflag:s23] =	ssyncadd.s32 $0xFFFFFFFF  }
0xa5: {  	s26 =	simm.s32 $execute0_lowered;
	[smem:$0x3FD2] =	sst s25  }
0xa6: {  	s5 =	sshll.u32 s26, $0x1;
	_ =	strace $0x80000046;
	[dreg:$0x1] =	wrdreg $0xFFFFFFFF  }
0xa7: {  	s28 =	simm.s32 $_size_execute0_lowered;
	s3 =	sadd.s32 s3, s5;
	[dreg:$0x0] =	wrdreg $0x0  }
0xa8: {  	s5 =	sshll.u32 s28, $0x1;
	[dreg:$0x2] =	wrdreg s3  }
0xa9: {  	[dreg:$0x3] =	wrdreg s5  }
0xaa: {  	[dreg:$0x4] =	wrdreg $0xC0  }
0xab: {  	_ =	task [dreg:s7], $0x5FFFF  }
0xac: {  	[dreg:$0x1] =	wrdreg $0xFFFFFFFF  }
0xad: {  	[dreg:$0x0] =	wrdreg $0x60  }
0xae: {  	[dreg:$0x2] =	wrdreg s24  }
0xaf: {  	[dreg:$0x3] =	wrdreg s2  }
0xb0: {  	[dreg:$0x4] =	wrdreg $0x9  }
0xb1: {  	_ =	task.clear_ibuf [dreg:s7], $0x5FFFF;
	_ =	strace $0x90000046  }
0xb2: {  	s29 =	simm.s32 $0x9;
	_ =	strace $0x80000048  }
0xb3: {  	_ =	swait.ge [sflag:s29], $0x1  }
0xb4: {  	[sflag:s29] =	ssyncadd.s32 $0xFFFFFFFF  }
0xb5: {  	_ =	strace $0x90000048  }
0xb6: {  	_ =	sfence  }
0xb7: {  	s30 =	sld [smem:$0x0];
	_ =	sdelay $0x2  }
0xb8: {  	s31 =	sshll.u32 s1, $0xD;
	s1 =	sshrl.u32 s1, $0x2  }
0xb9: {  	s3 =	sand.u32 $0x4000, s31;
	s1 =	sadd.s32 s1, s30  }
0xba: {  	s0 =	sor.u32 s3, s0;
	s1 =	sshll.u32 s1, $0x11  }
0xbb: {  	s0 =	sor.u32 s1, s0  }
0xbc: {  	s0 =	sadd.s32 $0x8F2B, s0  }
0xbd: {  	[sflag:s0] =	ssyncadd.remote.s32 $0x1  }
0xbe: {  	_ =	sfence.sel $0xFFFF  }
0xbf: {  	[dreg:$0x0] =	wrdreg $0xFFFFFFFF;
	(pc) =	sbr.abs _section_cstart, $3  }
0xc0: {  	[dreg:$0x1] =	wrdreg $0xFFFFFFFF  }
0xc1: {  	_ =	task.clear_ibuf [dreg:s7], $0x2FFFF;
	_ =	strace $0x9FFFFFFF  }
0xc2: {  	(tm) =	ssettm $0x7FFFFFFF  }
0xc3: {  	_ =	shalt  }
tec
execute0_lowered:
.L_overlay_start_1:
0x0: {  	(tag) =	ssettag $0x1  }
0x1: {  	s0 =	rddreg [dreg:$0x0]  }
0x2: {  	s1 =	rddreg [dreg:$0x1];
	s6 =	stileid.u32  }
0x3: {  	s3 =	srdreg.scid;
	s2 =	simm.s32 $0x0;
	s25 =	simm.s32 $0x400  }
0x4: {  	s16 =	simm.s32 $0xC00;
	s17 =	simm.s32 $0x1400;
	s15 =	simm.s32 $0x1C00  }
0x5: {  	s18 =	simm.s32 $0x2400;
	s19 =	simm.s32 $0x2C00;
	s4 =	smul.u32 $0x140000, s6  }
0x6: {  	s20 =	simm.s32 $0x3400;
	s3 =	sand.u32 $0x1, s3;
	s6 =	smul.u32 $0xA000, s6  }
0x7: {  	[smem:$0x7FF] =	sst s2;
	s5 =	smul.u32 $0xA0000, s3;
	s7 =	ssub.s32 $0x2, s3  }
0x8: {  	_ =	strace $0x80000047;
	s8 =	smul.u32 $0x5000, s3;
	s29 =	sshrl.u32 s7, $0x1  }
0x9: {  	s3 =	sadd.s32 $0x2B200, s0;
	s4 =	sadd.s32 s4, s0;
	s0 =	ssub.s32 s7, s29  }
0xa: {  	s4 =	sadd.s32 s5, s4;
	s30 =	sadd.s32 s8, s6;
	s0 =	smax.u32 s0, $0x1  }
0xb: {  	v2 =	vlaneseq.u32;
	s4 =	sadd.s32 $0x7B200, s4;
	s31 =	sshrl.u32 s30, $0x3;
	[dreg:$0x4] =	wrdreg s0  }
0xc: {  	vm0 =	vmmov $0xffff;
	s12 =	simm.s32 $0x1;
	v1 =	vshrl.u32 v2, $0x3;
	[dreg:$0x3] =	wrdreg s4;
	s0 =	sadd.s32 s31, s1  }
0xd: {  	v0 =	vand.u32 $0x7, v2;
	v2 =	vor.u32 $0x8, v2;
	v1 =	vmul.u32 $0x8, v1;
	s6 =	simm.s32 $0x2;
	[dreg:$0x5] =	wrdreg s0;
	s0 =	simm.s32 $0x0  }
.LBB2_1:
0xe: {  	[dreg:$0x6] =	wrdreg s0  }
0xf: {  	s13 =	rddreg [dreg:$0x5];
	s14 =	simm.s32 $0x0  }
.LBB2_2:
0x10: {  	[tilespmem:s2], [sflag:$0x2] =	stream.linear.gather [hbm4b:s13+s2], $0x400, $0x38;
	[tilespmem:$0x10400] =	vst v63  }
0x11: {  	_ =	swait.ge [sflag:s6], $0x400  }
0x12: {  	[sflag:s6] =	ssyncset.done $0x0  }
0x13: {  	[sflag:s6] =	ssyncadd.s32 $0xFFFFFC00  }
0x14: {  	v3 =	vld [tilespmem:$0x0];
	_ =	sdelay $0x4  }
0x15: {  	v4 =	vshll.u32 v3, $0x1  }
0x16: {  	v3 =	vand.u32 $0x7, v3;
	v4 =	vand.u32 $0xFFFFFFF0, v4  }
0x17: {  	v3 =	vor.u32 v3, v4  }
0x18: {  	v4 =	vperm.xlane v3, v0;
	_ =	sdelay $0x1  }
0x19: {  	v3 =	vperm.xlane v3, v2;
	v4 =	vadd.s32 v1, v4;
	_ =	sdelay $0x1  }
0x1a: {  	v3 =	vadd.s32 v1, v3;
	_ =	sdelay $0x2  }
0x1b: {  	[tilespmem:s25], [sflag:$0x1] =	stream.indirect_vreg.gather [hbm4b:s3+s2], $0x80, v4, vm0, $0xb8;
	[tilespmem:$0x10400] =	vst v63  }
0x1c: {  	_ = 	snop  }
0x1d: {  	[tilespmem:s16], [sflag:$0x1] =	stream.indirect_vreg.gather [hbm4b:s3+s2], $0x80, v3, vm0, $0xb8;
	[tilespmem:$0x10400] =	vst v63  }
0x1e: {  	v3 =	vld [tilespmem:$0x10];
	_ =	sdelay $0x4  }
0x1f: {  	v57 =	vshll.u32 v3, $0x1  }
0x20: {  	v3 =	vand.u32 $0x7, v3;
	v4 =	vand.u32 $0xFFFFFFF0, v57  }
0x21: {  	v3 =	vor.u32 v3, v4  }
0x22: {  	v4 =	vperm.xlane v3, v0;
	_ =	sdelay $0x1  }
0x23: {  	v3 =	vperm.xlane v3, v2;
	v4 =	vadd.s32 v1, v4;
	_ =	sdelay $0x1  }
0x24: {  	v3 =	vadd.s32 v1, v3;
	_ =	sdelay $0x2  }
0x25: {  	[tilespmem:s17], [sflag:$0x1] =	stream.indirect_vreg.gather [hbm4b:s3+s2], $0x80, v4, vm0, $0xb8;
	[tilespmem:$0x10400] =	vst v63  }
0x26: {  	_ = 	snop  }
0x27: {  	[tilespmem:s15], [sflag:$0x1] =	stream.indirect_vreg.gather [hbm4b:s3+s2], $0x80, v3, vm0, $0xb8;
	[tilespmem:$0x10400] =	vst v63  }
0x28: {  	v3 =	vld [tilespmem:$0x20];
	_ =	sdelay $0x4  }
0x29: {  	v58 =	vshll.u32 v3, $0x1  }
0x2a: {  	v3 =	vand.u32 $0x7, v3;
	v4 =	vand.u32 $0xFFFFFFF0, v58  }
0x2b: {  	v3 =	vor.u32 v3, v4  }
0x2c: {  	v4 =	vperm.xlane v3, v0;
	_ =	sdelay $0x1  }
0x2d: {  	v3 =	vperm.xlane v3, v2;
	v4 =	vadd.s32 v1, v4;
	_ =	sdelay $0x1  }
0x2e: {  	v3 =	vadd.s32 v1, v3;
	_ =	sdelay $0x2  }
0x2f: {  	[tilespmem:s18], [sflag:$0x1] =	stream.indirect_vreg.gather [hbm4b:s3+s2], $0x80, v4, vm0, $0xb8;
	[tilespmem:$0x10400] =	vst v63  }
0x30: {  	_ = 	snop  }
0x31: {  	[tilespmem:s19], [sflag:$0x1] =	stream.indirect_vreg.gather [hbm4b:s3+s2], $0x80, v3, vm0, $0xb8;
	[tilespmem:$0x10400] =	vst v63  }
0x32: {  	v3 =	vld [tilespmem:$0x30];
	_ =	sdelay $0x4  }
0x33: {  	v59 =	vshll.u32 v3, $0x1  }
0x34: {  	v3 =	vand.u32 $0x7, v3;
	v4 =	vand.u32 $0xFFFFFFF0, v59  }
0x35: {  	v3 =	vor.u32 v3, v4  }
0x36: {  	v4 =	vperm.xlane v3, v0;
	_ =	sdelay $0x1  }
0x37: {  	v3 =	vperm.xlane v3, v2;
	v4 =	vadd.s32 v1, v4;
	_ =	sdelay $0x1  }
0x38: {  	v3 =	vadd.s32 v1, v3;
	_ =	sdelay $0x2  }
0x39: {  	[tilespmem:s20], [sflag:$0x1] =	stream.indirect_vreg.gather [hbm4b:s3+s2], $0x80, v4, vm0, $0xb8;
	[tilespmem:$0x10400] =	vst v63  }
0x3a: {  	s0 =	simm.s32 $0x3C00  }
0x3b: {  	[tilespmem:s0], [sflag:$0x1] =	stream.indirect_vreg.gather [hbm4b:s3+s2], $0x80, v3, vm0, $0xb8;
	[tilespmem:$0x10400] =	vst v63  }
0x3c: {  	v3 =	vld [tilespmem:$0x40];
	_ =	sdelay $0x4  }
0x3d: {  	v60 =	vshll.u32 v3, $0x1  }
0x3e: {  	v3 =	vand.u32 $0x7, v3;
	v4 =	vand.u32 $0xFFFFFFF0, v60  }
0x3f: {  	v3 =	vor.u32 v3, v4  }
0x40: {  	v4 =	vperm.xlane v3, v0;
	_ =	sdelay $0x1  }
0x41: {  	v3 =	vperm.xlane v3, v2;
	v4 =	vadd.s32 v1, v4;
	_ =	sdelay $0x1  }
0x42: {  	v3 =	vadd.s32 v1, v3;
	_ =	sdelay $0x1  }
0x43: {  	s22 =	simm.s32 $0x4400  }
0x44: {  	[tilespmem:s22], [sflag:$0x1] =	stream.indirect_vreg.gather [hbm4b:s3+s2], $0x80, v4, vm0, $0xb8;
	[tilespmem:$0x10400] =	vst v63  }
0x45: {  	s23 =	simm.s32 $0x4C00  }
0x46: {  	[tilespmem:s23], [sflag:$0x1] =	stream.indirect_vreg.gather [hbm4b:s3+s2], $0x80, v3, vm0, $0xb8;
	[tilespmem:$0x10400] =	vst v63  }
0x47: {  	v3 =	vld [tilespmem:$0x50];
	_ =	sdelay $0x4  }
0x48: {  	v61 =	vshll.u32 v3, $0x1  }
0x49: {  	v3 =	vand.u32 $0x7, v3;
	v4 =	vand.u32 $0xFFFFFFF0, v61  }
0x4a: {  	v3 =	vor.u32 v3, v4  }
0x4b: {  	v4 =	vperm.xlane v3, v0;
	_ =	sdelay $0x1  }
0x4c: {  	v3 =	vperm.xlane v3, v2;
	v4 =	vadd.s32 v1, v4;
	_ =	sdelay $0x1  }
0x4d: {  	v3 =	vadd.s32 v1, v3;
	_ =	sdelay $0x1  }
0x4e: {  	s24 =	simm.s32 $0x5400  }
0x4f: {  	[tilespmem:s24], [sflag:$0x1] =	stream.indirect_vreg.gather [hbm4b:s3+s2], $0x80, v4, vm0, $0xb8;
	[tilespmem:$0x10400] =	vst v63  }
0x50: {  	s26 =	simm.s32 $0x5C00  }
0x51: {  	[tilespmem:s26], [sflag:$0x1] =	stream.indirect_vreg.gather [hbm4b:s3+s2], $0x80, v3, vm0, $0xb8;
	[tilespmem:$0x10400] =	vst v63  }
0x52: {  	v3 =	vld [tilespmem:$0x60];
	_ =	sdelay $0x4  }
0x53: {  	v62 =	vshll.u32 v3, $0x1  }
0x54: {  	v3 =	vand.u32 $0x7, v3;
	v4 =	vand.u32 $0xFFFFFFF0, v62  }
0x55: {  	v3 =	vor.u32 v3, v4  }
0x56: {  	v4 =	vperm.xlane v3, v0;
	_ =	sdelay $0x1  }
0x57: {  	v3 =	vperm.xlane v3, v2;
	v4 =	vadd.s32 v1, v4;
	_ =	sdelay $0x1  }
0x58: {  	v3 =	vadd.s32 v1, v3;
	_ =	sdelay $0x1  }
0x59: {  	s28 =	simm.s32 $0x6400  }
0x5a: {  	[tilespmem:s28], [sflag:$0x1] =	stream.indirect_vreg.gather [hbm4b:s3+s2], $0x80, v4, vm0, $0xb8;
	[tilespmem:$0x10400] =	vst v63  }
0x5b: {  	s4 =	simm.s32 $0x6C00  }
0x5c: {  	[tilespmem:s4], [sflag:$0x1] =	stream.indirect_vreg.gather [hbm4b:s3+s2], $0x80, v3, vm0, $0xb8;
	[tilespmem:$0x10400] =	vst v63  }
0x5d: {  	v3 =	vld [tilespmem:$0x70];
	_ =	sdelay $0x4  }
0x5e: {  	v63 =	vshll.u32 v3, $0x1  }
0x5f: {  	v3 =	vand.u32 $0x7, v3;
	v4 =	vand.u32 $0xFFFFFFF0, v63  }
0x60: {  	v3 =	vor.u32 v3, v4  }
0x61: {  	v4 =	vperm.xlane v3, v0;
	_ =	sdelay $0x1  }
0x62: {  	v3 =	vperm.xlane v3, v2;
	v4 =	vadd.s32 v1, v4;
	_ =	sdelay $0x1  }
0x63: {  	v3 =	vadd.s32 v1, v3;
	_ =	sdelay $0x1  }
0x64: {  	s29 =	simm.s32 $0x7400  }
0x65: {  	[tilespmem:s29], [sflag:$0x1] =	stream.indirect_vreg.gather [hbm4b:s3+s2], $0x80, v4, vm0, $0xb8;
	[tilespmem:$0x10400] =	vst v63  }
0x66: {  	s30 =	simm.s32 $0x7C00  }
0x67: {  	[tilespmem:s30], [sflag:$0x1] =	stream.indirect_vreg.gather [hbm4b:s3+s2], $0x80, v3, vm0, $0xb8;
	[tilespmem:$0x10400] =	vst v63  }
0x68: {  	v3 =	vld [tilespmem:$0x80];
	_ =	sdelay $0x4  }
0x69: {  	v8 =	vshll.u32 v3, $0x1  }
0x6a: {  	v3 =	vand.u32 $0x7, v3;
	v4 =	vand.u32 $0xFFFFFFF0, v8  }
0x6b: {  	v3 =	vor.u32 v3, v4  }
0x6c: {  	v4 =	vperm.xlane v3, v0;
	_ =	sdelay $0x1  }
0x6d: {  	v3 =	vperm.xlane v3, v2;
	v4 =	vadd.s32 v1, v4;
	_ =	sdelay $0x1  }
0x6e: {  	v3 =	vadd.s32 v1, v3;
	_ =	sdelay $0x1  }
0x6f: {  	s31 =	simm.s32 $0x8400  }
0x70: {  	[tilespmem:s31], [sflag:$0x1] =	stream.indirect_vreg.gather [hbm4b:s3+s2], $0x80, v4, vm0, $0xb8;
	[tilespmem:$0x10400] =	vst v63  }
0x71: {  	s15 =	simm.s32 $0x8C00  }
0x72: {  	[tilespmem:s15], [sflag:$0x1] =	stream.indirect_vreg.gather [hbm4b:s3+s2], $0x80, v3, vm0, $0xb8;
	[tilespmem:$0x10400] =	vst v63  }
0x73: {  	v3 =	vld [tilespmem:$0x90];
	_ =	sdelay $0x4  }
0x74: {  	v9 =	vshll.u32 v3, $0x1  }
0x75: {  	v3 =	vand.u32 $0x7, v3;
	v4 =	vand.u32 $0xFFFFFFF0, v9  }
0x76: {  	v3 =	vor.u32 v3, v4  }
0x77: {  	v4 =	vperm.xlane v3, v0;
	_ =	sdelay $0x1  }
0x78: {  	v3 =	vperm.xlane v3, v2;
	v4 =	vadd.s32 v1, v4;
	_ =	sdelay $0x1  }
0x79: {  	v3 =	vadd.s32 v1, v3;
	_ =	sdelay $0x1  }
0x7a: {  	s18 =	simm.s32 $0x9400  }
0x7b: {  	[tilespmem:s18], [sflag:$0x1] =	stream.indirect_vreg.gather [hbm4b:s3+s2], $0x80, v4, vm0, $0xb8;
	[tilespmem:$0x10400] =	vst v63  }
0x7c: {  	s19 =	simm.s32 $0x9C00  }
0x7d: {  	[tilespmem:s19], [sflag:$0x1] =	stream.indirect_vreg.gather [hbm4b:s3+s2], $0x80, v3, vm0, $0xb8;
	[tilespmem:$0x10400] =	vst v63  }
0x7e: {  	v3 =	vld [tilespmem:$0xA0];
	_ =	sdelay $0x4  }
0x7f: {  	v10 =	vshll.u32 v3, $0x1  }
0x80: {  	v3 =	vand.u32 $0x7, v3;
	v4 =	vand.u32 $0xFFFFFFF0, v10  }
0x81: {  	v3 =	vor.u32 v3, v4  }
0x82: {  	v4 =	vperm.xlane v3, v0;
	_ =	sdelay $0x1  }
0x83: {  	v3 =	vperm.xlane v3, v2;
	v4 =	vadd.s32 v1, v4;
	_ =	sdelay $0x1  }
0x84: {  	v3 =	vadd.s32 v1, v3;
	_ =	sdelay $0x1  }
0x85: {  	s20 =	simm.s32 $0xA400  }
0x86: {  	[tilespmem:s20], [sflag:$0x1] =	stream.indirect_vreg.gather [hbm4b:s3+s2], $0x80, v4, vm0, $0xb8;
	[tilespmem:$0x10400] =	vst v63  }
0x87: {  	s21 =	simm.s32 $0xAC00  }
0x88: {  	[tilespmem:s21], [sflag:$0x1] =	stream.indirect_vreg.gather [hbm4b:s3+s2], $0x80, v3, vm0, $0xb8;
	[tilespmem:$0x10400] =	vst v63  }
0x89: {  	v3 =	vld [tilespmem:$0xB0];
	_ =	sdelay $0x4  }
0x8a: {  	v11 =	vshll.u32 v3, $0x1  }
0x8b: {  	v3 =	vand.u32 $0x7, v3;
	v4 =	vand.u32 $0xFFFFFFF0, v11  }
0x8c: {  	v3 =	vor.u32 v3, v4  }
0x8d: {  	v4 =	vperm.xlane v3, v0;
	_ =	sdelay $0x1  }
0x8e: {  	v3 =	vperm.xlane v3, v2;
	v4 =	vadd.s32 v1, v4;
	_ =	sdelay $0x1  }
0x8f: {  	v3 =	vadd.s32 v1, v3;
	_ =	sdelay $0x1  }
0x90: {  	s23 =	simm.s32 $0xB400  }
0x91: {  	[tilespmem:s23], [sflag:$0x1] =	stream.indirect_vreg.gather [hbm4b:s3+s2], $0x80, v4, vm0, $0xb8;
	[tilespmem:$0x10400] =	vst v63  }
0x92: {  	s24 =	simm.s32 $0xBC00  }
0x93: {  	[tilespmem:s24], [sflag:$0x1] =	stream.indirect_vreg.gather [hbm4b:s3+s2], $0x80, v3, vm0, $0xb8;
	[tilespmem:$0x10400] =	vst v63  }
0x94: {  	v3 =	vld [tilespmem:$0xC0];
	_ =	sdelay $0x4  }
0x95: {  	v12 =	vshll.u32 v3, $0x1  }
0x96: {  	v3 =	vand.u32 $0x7, v3;
	v4 =	vand.u32 $0xFFFFFFF0, v12  }
0x97: {  	v3 =	vor.u32 v3, v4  }
0x98: {  	v4 =	vperm.xlane v3, v0;
	_ =	sdelay $0x1  }
0x99: {  	v3 =	vperm.xlane v3, v2;
	v4 =	vadd.s32 v1, v4;
	_ =	sdelay $0x1  }
0x9a: {  	v3 =	vadd.s32 v1, v3;
	_ =	sdelay $0x1  }
0x9b: {  	s26 =	simm.s32 $0xC400  }
0x9c: {  	[tilespmem:s26], [sflag:$0x1] =	stream.indirect_vreg.gather [hbm4b:s3+s2], $0x80, v4, vm0, $0xb8;
	[tilespmem:$0x10400] =	vst v63  }
0x9d: {  	s28 =	simm.s32 $0xCC00  }
0x9e: {  	[tilespmem:s28], [sflag:$0x1] =	stream.indirect_vreg.gather [hbm4b:s3+s2], $0x80, v3, vm0, $0xb8;
	[tilespmem:$0x10400] =	vst v63  }
0x9f: {  	v3 =	vld [tilespmem:$0xD0];
	_ =	sdelay $0x4  }
0xa0: {  	v13 =	vshll.u32 v3, $0x1  }
0xa1: {  	v3 =	vand.u32 $0x7, v3;
	v4 =	vand.u32 $0xFFFFFFF0, v13  }
0xa2: {  	v3 =	vor.u32 v3, v4  }
0xa3: {  	v4 =	vperm.xlane v3, v0;
	_ =	sdelay $0x1  }
0xa4: {  	v3 =	vperm.xlane v3, v2;
	v4 =	vadd.s32 v1, v4;
	_ =	sdelay $0x1  }
0xa5: {  	v3 =	vadd.s32 v1, v3;
	_ =	sdelay $0x1  }
0xa6: {  	s29 =	simm.s32 $0xD400  }
0xa7: {  	[tilespmem:s29], [sflag:$0x1] =	stream.indirect_vreg.gather [hbm4b:s3+s2], $0x80, v4, vm0, $0xb8;
	[tilespmem:$0x10400] =	vst v63  }
0xa8: {  	s30 =	simm.s32 $0xDC00  }
0xa9: {  	[tilespmem:s30], [sflag:$0x1] =	stream.indirect_vreg.gather [hbm4b:s3+s2], $0x80, v3, vm0, $0xb8;
	[tilespmem:$0x10400] =	vst v63  }
0xaa: {  	v3 =	vld [tilespmem:$0xE0];
	_ =	sdelay $0x4  }
0xab: {  	v14 =	vshll.u32 v3, $0x1  }
0xac: {  	v3 =	vand.u32 $0x7, v3;
	v4 =	vand.u32 $0xFFFFFFF0, v14  }
0xad: {  	v3 =	vor.u32 v3, v4  }
0xae: {  	v4 =	vperm.xlane v3, v0;
	_ =	sdelay $0x1  }
0xaf: {  	v3 =	vperm.xlane v3, v2;
	v4 =	vadd.s32 v1, v4;
	_ =	sdelay $0x1  }
0xb0: {  	v3 =	vadd.s32 v1, v3;
	_ =	sdelay $0x1  }
0xb1: {  	s31 =	simm.s32 $0xE400  }
0xb2: {  	[tilespmem:s31], [sflag:$0x1] =	stream.indirect_vreg.gather [hbm4b:s3+s2], $0x80, v4, vm0, $0xb8;
	[tilespmem:$0x10400] =	vst v63  }
0xb3: {  	s18 =	simm.s32 $0xEC00  }
0xb4: {  	[tilespmem:s18], [sflag:$0x1] =	stream.indirect_vreg.gather [hbm4b:s3+s2], $0x80, v3, vm0, $0xb8;
	[tilespmem:$0x10400] =	vst v63  }
0xb5: {  	v3 =	vld [tilespmem:$0xF0];
	_ =	sdelay $0x4  }
0xb6: {  	v15 =	vshll.u32 v3, $0x1  }
0xb7: {  	v3 =	vand.u32 $0x7, v3;
	v4 =	vand.u32 $0xFFFFFFF0, v15  }
0xb8: {  	v3 =	vor.u32 v3, v4  }
0xb9: {  	v4 =	vperm.xlane v3, v0;
	_ =	sdelay $0x1  }
0xba: {  	v3 =	vperm.xlane v3, v2;
	v4 =	vadd.s32 v1, v4;
	_ =	sdelay $0x1  }
0xbb: {  	v3 =	vadd.s32 v1, v3;
	_ =	sdelay $0x1  }
0xbc: {  	s19 =	simm.s32 $0xF400  }
0xbd: {  	[tilespmem:s19], [sflag:$0x1] =	stream.indirect_vreg.gather [hbm4b:s3+s2], $0x80, v4, vm0, $0xb8;
	[tilespmem:$0x10400] =	vst v63  }
0xbe: {  	s20 =	simm.s32 $0xFC00  }
0xbf: {  	[tilespmem:s20], [sflag:$0x1] =	stream.indirect_vreg.gather [hbm4b:s3+s2], $0x80, v3, vm0, $0xb8;
	[tilespmem:$0x10400] =	vst v63  }
0xc0: {  	_ =	swait.ge [sflag:s12], $0x8000  }
0xc1: {  	[sflag:s12] =	ssyncset.done $0x0  }
0xc2: {  	[sflag:s12] =	ssyncadd.s32 $0xFFFF8000  }
0xc3: {  	_ =	swait.ge [sflag:s12], $0x8000  }
0xc4: {  	s24 =	rddreg [dreg:$0x3];
	[sflag:s12] =	ssyncset.done $0x0  }
0xc5: {  	[sflag:s12] =	ssyncadd.s32 $0xFFFF8000;
	s15 =	sadd.s32 s14, s24  }
0xc6: {  	[hbm4b:s15+s2] =	stream.linear.scatter [tilespmem:s25], [sflag:$0x2], $0x10000, $0x38;
	[tilespmem:$0x10400] =	vst v63  }
0xc7: {  	_ =	swait.ge [sflag:s6], $0x10000  }
0xc8: {  	[sflag:s6] =	ssyncset.done $0x0  }
0xc9: {  	[sflag:s6] =	ssyncadd.s32 $0xFFFF0000  }
0xca: {  	v3 =	vld [tilespmem:$0x100];
	_ =	sdelay $0x4  }
0xcb: {  	v16 =	vshll.u32 v3, $0x1  }
0xcc: {  	v3 =	vand.u32 $0x7, v3;
	v4 =	vand.u32 $0xFFFFFFF0, v16  }
0xcd: {  	v3 =	vor.u32 v3, v4  }
0xce: {  	v4 =	vperm.xlane v3, v0;
	_ =	sdelay $0x1  }
0xcf: {  	v3 =	vperm.xlane v3, v2;
	v4 =	vadd.s32 v1, v4;
	_ =	sdelay $0x1  }
0xd0: {  	v3 =	vadd.s32 v1, v3;
	_ =	sdelay $0x2  }
0xd1: {  	[tilespmem:s25], [sflag:$0x1] =	stream.indirect_vreg.gather [hbm4b:s3+s2], $0x80, v4, vm0, $0xb8;
	[tilespmem:$0x10400] =	vst v63  }
0xd2: {  	_ = 	snop  }
0xd3: {  	[tilespmem:s16], [sflag:$0x1] =	stream.indirect_vreg.gather [hbm4b:s3+s2], $0x80, v3, vm0, $0xb8;
	[tilespmem:$0x10400] =	vst v63  }
0xd4: {  	v3 =	vld [tilespmem:$0x110];
	_ =	sdelay $0x4  }
0xd5: {  	v17 =	vshll.u32 v3, $0x1  }
0xd6: {  	v3 =	vand.u32 $0x7, v3;
	v4 =	vand.u32 $0xFFFFFFF0, v17  }
0xd7: {  	v3 =	vor.u32 v3, v4  }
0xd8: {  	v4 =	vperm.xlane v3, v0;
	_ =	sdelay $0x1  }
0xd9: {  	v3 =	vperm.xlane v3, v2;
	v4 =	vadd.s32 v1, v4;
	_ =	sdelay $0x1  }
0xda: {  	v3 =	vadd.s32 v1, v3;
	_ =	sdelay $0x2  }
0xdb: {  	[tilespmem:s17], [sflag:$0x1] =	stream.indirect_vreg.gather [hbm4b:s3+s2], $0x80, v4, vm0, $0xb8;
	[tilespmem:$0x10400] =	vst v63  }
0xdc: {  	s26 =	simm.s32 $0x1C00  }
0xdd: {  	[tilespmem:s26], [sflag:$0x1] =	stream.indirect_vreg.gather [hbm4b:s3+s2], $0x80, v3, vm0, $0xb8;
	[tilespmem:$0x10400] =	vst v63  }
0xde: {  	v3 =	vld [tilespmem:$0x120];
	_ =	sdelay $0x4  }
0xdf: {  	v18 =	vshll.u32 v3, $0x1  }
0xe0: {  	v3 =	vand.u32 $0x7, v3;
	v4 =	vand.u32 $0xFFFFFFF0, v18  }
0xe1: {  	v3 =	vor.u32 v3, v4  }
0xe2: {  	v4 =	vperm.xlane v3, v0;
	_ =	sdelay $0x1  }
0xe3: {  	v3 =	vperm.xlane v3, v2;
	v4 =	vadd.s32 v1, v4;
	_ =	sdelay $0x1  }
0xe4: {  	v3 =	vadd.s32 v1, v3;
	_ =	sdelay $0x1  }
0xe5: {  	s19 =	simm.s32 $0x2400  }
0xe6: {  	[tilespmem:s19], [sflag:$0x1] =	stream.indirect_vreg.gather [hbm4b:s3+s2], $0x80, v4, vm0, $0xb8;
	[tilespmem:$0x10400] =	vst v63  }
0xe7: {  	s21 =	simm.s32 $0x2C00  }
0xe8: {  	[tilespmem:s21], [sflag:$0x1] =	stream.indirect_vreg.gather [hbm4b:s3+s2], $0x80, v3, vm0, $0xb8;
	[tilespmem:$0x10400] =	vst v63  }
0xe9: {  	v3 =	vld [tilespmem:$0x130];
	_ =	sdelay $0x4  }
0xea: {  	v19 =	vshll.u32 v3, $0x1  }
0xeb: {  	v3 =	vand.u32 $0x7, v3;
	v4 =	vand.u32 $0xFFFFFFF0, v19  }
0xec: {  	v3 =	vor.u32 v3, v4  }
0xed: {  	v4 =	vperm.xlane v3, v0;
	_ =	sdelay $0x1  }
0xee: {  	v3 =	vperm.xlane v3, v2;
	v4 =	vadd.s32 v1, v4;
	_ =	sdelay $0x1  }
0xef: {  	v3 =	vadd.s32 v1, v3;
	_ =	sdelay $0x1  }
0xf0: {  	s20 =	simm.s32 $0x3400  }
0xf1: {  	[tilespmem:s20], [sflag:$0x1] =	stream.indirect_vreg.gather [hbm4b:s3+s2], $0x80, v4, vm0, $0xb8;
	[tilespmem:$0x10400] =	vst v63  }
0xf2: {  	s9 =	simm.s32 $0x3C00  }
0xf3: {  	[tilespmem:s9], [sflag:$0x1] =	stream.indirect_vreg.gather [hbm4b:s3+s2], $0x80, v3, vm0, $0xb8;
	[tilespmem:$0x10400] =	vst v63  }
0xf4: {  	v3 =	vld [tilespmem:$0x140];
	_ =	sdelay $0x4  }
0xf5: {  	v20 =	vshll.u32 v3, $0x1  }
0xf6: {  	v3 =	vand.u32 $0x7, v3;
	v4 =	vand.u32 $0xFFFFFFF0, v20  }
0xf7: {  	v3 =	vor.u32 v3, v4  }
0xf8: {  	v4 =	vperm.xlane v3, v0;
	_ =	sdelay $0x1  }
0xf9: {  	v3 =	vperm.xlane v3, v2;
	v4 =	vadd.s32 v1, v4;
	_ =	sdelay $0x1  }
0xfa: {  	v3 =	vadd.s32 v1, v3;
	_ =	sdelay $0x1  }
0xfb: {  	s10 =	simm.s32 $0x4400  }
0xfc: {  	[tilespmem:s10], [sflag:$0x1] =	stream.indirect_vreg.gather [hbm4b:s3+s2], $0x80, v4, vm0, $0xb8;
	[tilespmem:$0x10400] =	vst v63  }
0xfd: {  	s11 =	simm.s32 $0x4C00  }
0xfe: {  	[tilespmem:s11], [sflag:$0x1] =	stream.indirect_vreg.gather [hbm4b:s3+s2], $0x80, v3, vm0, $0xb8;
	[tilespmem:$0x10400] =	vst v63  }
0xff: {  	v3 =	vld [tilespmem:$0x150];
	_ =	sdelay $0x4  }
0x100: {  	v21 =	vshll.u32 v3, $0x1  }
0x101: {  	v3 =	vand.u32 $0x7, v3;
	v4 =	vand.u32 $0xFFFFFFF0, v21  }
0x102: {  	v3 =	vor.u32 v3, v4  }
0x103: {  	v4 =	vperm.xlane v3, v0;
	_ =	sdelay $0x1  }
0x104: {  	v3 =	vperm.xlane v3, v2;
	v4 =	vadd.s32 v1, v4;
	_ =	sdelay $0x1  }
0x105: {  	v3 =	vadd.s32 v1, v3;
	_ =	sdelay $0x1  }
0x106: {  	s1 =	simm.s32 $0x5400  }
0x107: {  	[tilespmem:s1], [sflag:$0x1] =	stream.indirect_vreg.gather [hbm4b:s3+s2], $0x80, v4, vm0, $0xb8;
	[tilespmem:$0x10400] =	vst v63  }
0x108: {  	s7 =	simm.s32 $0x5C00  }
0x109: {  	[tilespmem:s7], [sflag:$0x1] =	stream.indirect_vreg.gather [hbm4b:s3+s2], $0x80, v3, vm0, $0xb8;
	[tilespmem:$0x10400] =	vst v63  }
0x10a: {  	v3 =	vld [tilespmem:$0x160];
	_ =	sdelay $0x4  }
0x10b: {  	v22 =	vshll.u32 v3, $0x1  }
0x10c: {  	v3 =	vand.u32 $0x7, v3;
	v4 =	vand.u32 $0xFFFFFFF0, v22  }
0x10d: {  	v3 =	vor.u32 v3, v4  }
0x10e: {  	v4 =	vperm.xlane v3, v0;
	_ =	sdelay $0x1  }
0x10f: {  	v3 =	vperm.xlane v3, v2;
	v4 =	vadd.s32 v1, v4;
	_ =	sdelay $0x1  }
0x110: {  	v3 =	vadd.s32 v1, v3;
	_ =	sdelay $0x1  }
0x111: {  	s0 =	simm.s32 $0x6400  }
0x112: {  	[tilespmem:s0], [sflag:$0x1] =	stream.indirect_vreg.gather [hbm4b:s3+s2], $0x80, v4, vm0, $0xb8;
	[tilespmem:$0x10400] =	vst v63  }
0x113: {  	s8 =	simm.s32 $0x6C00  }
0x114: {  	[tilespmem:s8], [sflag:$0x1] =	stream.indirect_vreg.gather [hbm4b:s3+s2], $0x80, v3, vm0, $0xb8;
	[tilespmem:$0x10400] =	vst v63  }
0x115: {  	v3 =	vld [tilespmem:$0x170];
	_ =	sdelay $0x4  }
0x116: {  	v23 =	vshll.u32 v3, $0x1  }
0x117: {  	v3 =	vand.u32 $0x7, v3;
	v4 =	vand.u32 $0xFFFFFFF0, v23  }
0x118: {  	v3 =	vor.u32 v3, v4  }
0x119: {  	v4 =	vperm.xlane v3, v0;
	_ =	sdelay $0x1  }
0x11a: {  	v3 =	vperm.xlane v3, v2;
	v4 =	vadd.s32 v1, v4;
	_ =	sdelay $0x1  }
0x11b: {  	v3 =	vadd.s32 v1, v3;
	_ =	sdelay $0x1  }
0x11c: {  	s5 =	simm.s32 $0x7400  }
0x11d: {  	[tilespmem:s5], [sflag:$0x1] =	stream.indirect_vreg.gather [hbm4b:s3+s2], $0x80, v4, vm0, $0xb8;
	[tilespmem:$0x10400] =	vst v63  }
0x11e: {  	s9 =	simm.s32 $0x7C00  }
0x11f: {  	[tilespmem:s9], [sflag:$0x1] =	stream.indirect_vreg.gather [hbm4b:s3+s2], $0x80, v3, vm0, $0xb8;
	[tilespmem:$0x10400] =	vst v63  }
0x120: {  	v3 =	vld [tilespmem:$0x180];
	_ =	sdelay $0x4  }
0x121: {  	v24 =	vshll.u32 v3, $0x1  }
0x122: {  	v3 =	vand.u32 $0x7, v3;
	v4 =	vand.u32 $0xFFFFFFF0, v24  }
0x123: {  	v3 =	vor.u32 v3, v4  }
0x124: {  	v4 =	vperm.xlane v3, v0;
	_ =	sdelay $0x1  }
0x125: {  	v3 =	vperm.xlane v3, v2;
	v4 =	vadd.s32 v1, v4;
	_ =	sdelay $0x1  }
0x126: {  	v3 =	vadd.s32 v1, v3;
	_ =	sdelay $0x1  }
0x127: {  	s10 =	simm.s32 $0x8400  }
0x128: {  	[tilespmem:s10], [sflag:$0x1] =	stream.indirect_vreg.gather [hbm4b:s3+s2], $0x80, v4, vm0, $0xb8;
	[tilespmem:$0x10400] =	vst v63  }
0x129: {  	s11 =	simm.s32 $0x8C00  }
0x12a: {  	[tilespmem:s11], [sflag:$0x1] =	stream.indirect_vreg.gather [hbm4b:s3+s2], $0x80, v3, vm0, $0xb8;
	[tilespmem:$0x10400] =	vst v63  }
0x12b: {  	v3 =	vld [tilespmem:$0x190];
	_ =	sdelay $0x4  }
0x12c: {  	v25 =	vshll.u32 v3, $0x1  }
0x12d: {  	v3 =	vand.u32 $0x7, v3;
	v4 =	vand.u32 $0xFFFFFFF0, v25  }
0x12e: {  	v3 =	vor.u32 v3, v4  }
0x12f: {  	v4 =	vperm.xlane v3, v0;
	_ =	sdelay $0x1  }
0x130: {  	v3 =	vperm.xlane v3, v2;
	v4 =	vadd.s32 v1, v4;
	_ =	sdelay $0x1  }
0x131: {  	v3 =	vadd.s32 v1, v3;
	_ =	sdelay $0x1  }
0x132: {  	s18 =	simm.s32 $0x9400  }
0x133: {  	[tilespmem:s18], [sflag:$0x1] =	stream.indirect_vreg.gather [hbm4b:s3+s2], $0x80, v4, vm0, $0xb8;
	[tilespmem:$0x10400] =	vst v63  }
0x134: {  	s21 =	simm.s32 $0x9C00  }
0x135: {  	[tilespmem:s21], [sflag:$0x1] =	stream.indirect_vreg.gather [hbm4b:s3+s2], $0x80, v3, vm0, $0xb8;
	[tilespmem:$0x10400] =	vst v63  }
0x136: {  	v3 =	vld [tilespmem:$0x1A0];
	_ =	sdelay $0x4  }
0x137: {  	v26 =	vshll.u32 v3, $0x1  }
0x138: {  	v3 =	vand.u32 $0x7, v3;
	v4 =	vand.u32 $0xFFFFFFF0, v26  }
0x139: {  	v3 =	vor.u32 v3, v4  }
0x13a: {  	v4 =	vperm.xlane v3, v0;
	_ =	sdelay $0x1  }
0x13b: {  	v3 =	vperm.xlane v3, v2;
	v4 =	vadd.s32 v1, v4;
	_ =	sdelay $0x1  }
0x13c: {  	v3 =	vadd.s32 v1, v3;
	_ =	sdelay $0x1  }
0x13d: {  	s22 =	simm.s32 $0xA400  }
0x13e: {  	[tilespmem:s22], [sflag:$0x1] =	stream.indirect_vreg.gather [hbm4b:s3+s2], $0x80, v4, vm0, $0xb8;
	[tilespmem:$0x10400] =	vst v63  }
0x13f: {  	s24 =	simm.s32 $0xAC00  }
0x140: {  	[tilespmem:s24], [sflag:$0x1] =	stream.indirect_vreg.gather [hbm4b:s3+s2], $0x80, v3, vm0, $0xb8;
	[tilespmem:$0x10400] =	vst v63  }
0x141: {  	v3 =	vld [tilespmem:$0x1B0];
	_ =	sdelay $0x4  }
0x142: {  	v27 =	vshll.u32 v3, $0x1  }
0x143: {  	v3 =	vand.u32 $0x7, v3;
	v4 =	vand.u32 $0xFFFFFFF0, v27  }
0x144: {  	v3 =	vor.u32 v3, v4  }
0x145: {  	v4 =	vperm.xlane v3, v0;
	_ =	sdelay $0x1  }
0x146: {  	v3 =	vperm.xlane v3, v2;
	v4 =	vadd.s32 v1, v4;
	_ =	sdelay $0x1  }
0x147: {  	v3 =	vadd.s32 v1, v3;
	_ =	sdelay $0x1  }
0x148: {  	s22 =	simm.s32 $0xB400  }
0x149: {  	[tilespmem:s22], [sflag:$0x1] =	stream.indirect_vreg.gather [hbm4b:s3+s2], $0x80, v4, vm0, $0xb8;
	[tilespmem:$0x10400] =	vst v63  }
0x14a: {  	s23 =	simm.s32 $0xBC00  }
0x14b: {  	[tilespmem:s23], [sflag:$0x1] =	stream.indirect_vreg.gather [hbm4b:s3+s2], $0x80, v3, vm0, $0xb8;
	[tilespmem:$0x10400] =	vst v63  }
0x14c: {  	v3 =	vld [tilespmem:$0x1C0];
	_ =	sdelay $0x4  }
0x14d: {  	v28 =	vshll.u32 v3, $0x1  }
0x14e: {  	v3 =	vand.u32 $0x7, v3;
	v4 =	vand.u32 $0xFFFFFFF0, v28  }
0x14f: {  	v3 =	vor.u32 v3, v4  }
0x150: {  	v4 =	vperm.xlane v3, v0;
	_ =	sdelay $0x1  }
0x151: {  	v3 =	vperm.xlane v3, v2;
	v4 =	vadd.s32 v1, v4;
	_ =	sdelay $0x1  }
0x152: {  	v3 =	vadd.s32 v1, v3;
	_ =	sdelay $0x1  }
0x153: {  	s23 =	simm.s32 $0xC400  }
0x154: {  	[tilespmem:s23], [sflag:$0x1] =	stream.indirect_vreg.gather [hbm4b:s3+s2], $0x80, v4, vm0, $0xb8;
	[tilespmem:$0x10400] =	vst v63  }
0x155: {  	s4 =	simm.s32 $0xCC00  }
0x156: {  	[tilespmem:s4], [sflag:$0x1] =	stream.indirect_vreg.gather [hbm4b:s3+s2], $0x80, v3, vm0, $0xb8;
	[tilespmem:$0x10400] =	vst v63  }
0x157: {  	v3 =	vld [tilespmem:$0x1D0];
	_ =	sdelay $0x4  }
0x158: {  	v29 =	vshll.u32 v3, $0x1  }
0x159: {  	v3 =	vand.u32 $0x7, v3;
	v4 =	vand.u32 $0xFFFFFFF0, v29  }
0x15a: {  	v3 =	vor.u32 v3, v4  }
0x15b: {  	v4 =	vperm.xlane v3, v0;
	_ =	sdelay $0x1  }
0x15c: {  	v3 =	vperm.xlane v3, v2;
	v4 =	vadd.s32 v1, v4;
	_ =	sdelay $0x1  }
0x15d: {  	v3 =	vadd.s32 v1, v3;
	_ =	sdelay $0x1  }
0x15e: {  	s0 =	simm.s32 $0xD400  }
0x15f: {  	[tilespmem:s0], [sflag:$0x1] =	stream.indirect_vreg.gather [hbm4b:s3+s2], $0x80, v4, vm0, $0xb8;
	[tilespmem:$0x10400] =	vst v63  }
0x160: {  	s5 =	simm.s32 $0xDC00  }
0x161: {  	[tilespmem:s5], [sflag:$0x1] =	stream.indirect_vreg.gather [hbm4b:s3+s2], $0x80, v3, vm0, $0xb8;
	[tilespmem:$0x10400] =	vst v63  }
0x162: {  	v3 =	vld [tilespmem:$0x1E0];
	_ =	sdelay $0x4  }
0x163: {  	v30 =	vshll.u32 v3, $0x1  }
0x164: {  	v3 =	vand.u32 $0x7, v3;
	v4 =	vand.u32 $0xFFFFFFF0, v30  }
0x165: {  	v3 =	vor.u32 v3, v4  }
0x166: {  	v4 =	vperm.xlane v3, v0;
	_ =	sdelay $0x1  }
0x167: {  	v3 =	vperm.xlane v3, v2;
	v4 =	vadd.s32 v1, v4;
	_ =	sdelay $0x1  }
0x168: {  	v3 =	vadd.s32 v1, v3;
	_ =	sdelay $0x1  }
0x169: {  	s1 =	simm.s32 $0xE400  }
0x16a: {  	[tilespmem:s1], [sflag:$0x1] =	stream.indirect_vreg.gather [hbm4b:s3+s2], $0x80, v4, vm0, $0xb8;
	[tilespmem:$0x10400] =	vst v63  }
0x16b: {  	s7 =	simm.s32 $0xEC00  }
0x16c: {  	[tilespmem:s7], [sflag:$0x1] =	stream.indirect_vreg.gather [hbm4b:s3+s2], $0x80, v3, vm0, $0xb8;
	[tilespmem:$0x10400] =	vst v63  }
0x16d: {  	v3 =	vld [tilespmem:$0x1F0];
	_ =	sdelay $0x4  }
0x16e: {  	v31 =	vshll.u32 v3, $0x1  }
0x16f: {  	v3 =	vand.u32 $0x7, v3;
	v4 =	vand.u32 $0xFFFFFFF0, v31  }
0x170: {  	v3 =	vor.u32 v3, v4  }
0x171: {  	v4 =	vperm.xlane v3, v0;
	_ =	sdelay $0x1  }
0x172: {  	v3 =	vperm.xlane v3, v2;
	v4 =	vadd.s32 v1, v4;
	_ =	sdelay $0x1  }
0x173: {  	v3 =	vadd.s32 v1, v3;
	_ =	sdelay $0x1  }
0x174: {  	s4 =	simm.s32 $0xF400  }
0x175: {  	[tilespmem:s4], [sflag:$0x1] =	stream.indirect_vreg.gather [hbm4b:s3+s2], $0x80, v4, vm0, $0xb8;
	[tilespmem:$0x10400] =	vst v63  }
0x176: {  	s8 =	simm.s32 $0xFC00  }
0x177: {  	[tilespmem:s8], [sflag:$0x1] =	stream.indirect_vreg.gather [hbm4b:s3+s2], $0x80, v3, vm0, $0xb8;
	[tilespmem:$0x10400] =	vst v63  }
0x178: {  	_ =	swait.ge [sflag:s12], $0x8000  }
0x179: {  	[sflag:s12] =	ssyncset.done $0x0  }
0x17a: {  	[sflag:s12] =	ssyncadd.s32 $0xFFFF8000  }
0x17b: {  	_ =	swait.ge [sflag:s12], $0x8000  }
0x17c: {  	[sflag:s12] =	ssyncset.done $0x0  }
0x17d: {  	s16 =	sadd.s32 $0x2000, s15;
	[sflag:s12] =	ssyncadd.s32 $0xFFFF8000  }
0x17e: {  	[hbm4b:s16+s2] =	stream.linear.scatter [tilespmem:s25], [sflag:$0x2], $0x10000, $0x38;
	[tilespmem:$0x10400] =	vst v63  }
0x17f: {  	_ =	swait.ge [sflag:s6], $0x10000  }
0x180: {  	[sflag:s6] =	ssyncset.done $0x0  }
0x181: {  	[sflag:s6] =	ssyncadd.s32 $0xFFFF0000  }
0x182: {  	v3 =	vld [tilespmem:$0x200];
	_ =	sdelay $0x4  }
0x183: {  	v32 =	vshll.u32 v3, $0x1  }
0x184: {  	v3 =	vand.u32 $0x7, v3;
	v4 =	vand.u32 $0xFFFFFFF0, v32  }
0x185: {  	v3 =	vor.u32 v3, v4  }
0x186: {  	v4 =	vperm.xlane v3, v0;
	_ =	sdelay $0x1  }
0x187: {  	v3 =	vperm.xlane v3, v2;
	v4 =	vadd.s32 v1, v4;
	_ =	sdelay $0x1  }
0x188: {  	v3 =	vadd.s32 v1, v3;
	_ =	sdelay $0x2  }
0x189: {  	[tilespmem:s25], [sflag:$0x1] =	stream.indirect_vreg.gather [hbm4b:s3+s2], $0x80, v4, vm0, $0xb8;
	[tilespmem:$0x10400] =	vst v63  }
0x18a: {  	s17 =	simm.s32 $0xC00  }
0x18b: {  	[tilespmem:s17], [sflag:$0x1] =	stream.indirect_vreg.gather [hbm4b:s3+s2], $0x80, v3, vm0, $0xb8;
	[tilespmem:$0x10400] =	vst v63  }
0x18c: {  	v3 =	vld [tilespmem:$0x210];
	_ =	sdelay $0x4  }
0x18d: {  	v33 =	vshll.u32 v3, $0x1  }
0x18e: {  	v3 =	vand.u32 $0x7, v3;
	v4 =	vand.u32 $0xFFFFFFF0, v33  }
0x18f: {  	v3 =	vor.u32 v3, v4  }
0x190: {  	v4 =	vperm.xlane v3, v0;
	_ =	sdelay $0x1  }
0x191: {  	v3 =	vperm.xlane v3, v2;
	v4 =	vadd.s32 v1, v4;
	_ =	sdelay $0x1  }
0x192: {  	v3 =	vadd.s32 v1, v3;
	_ =	sdelay $0x1  }
0x193: {  	s17 =	simm.s32 $0x1400  }
0x194: {  	[tilespmem:s17], [sflag:$0x1] =	stream.indirect_vreg.gather [hbm4b:s3+s2], $0x80, v4, vm0, $0xb8;
	[tilespmem:$0x10400] =	vst v63  }
0x195: {  	s16 =	simm.s32 $0x1C00  }
0x196: {  	[tilespmem:s16], [sflag:$0x1] =	stream.indirect_vreg.gather [hbm4b:s3+s2], $0x80, v3, vm0, $0xb8;
	[tilespmem:$0x10400] =	vst v63  }
0x197: {  	v3 =	vld [tilespmem:$0x220];
	_ =	sdelay $0x4  }
0x198: {  	v34 =	vshll.u32 v3, $0x1  }
0x199: {  	v3 =	vand.u32 $0x7, v3;
	v4 =	vand.u32 $0xFFFFFFF0, v34  }
0x19a: {  	v3 =	vor.u32 v3, v4  }
0x19b: {  	v4 =	vperm.xlane v3, v0;
	_ =	sdelay $0x1  }
0x19c: {  	v3 =	vperm.xlane v3, v2;
	v4 =	vadd.s32 v1, v4;
	_ =	sdelay $0x1  }
0x19d: {  	v3 =	vadd.s32 v1, v3;
	_ =	sdelay $0x2  }
0x19e: {  	[tilespmem:s19], [sflag:$0x1] =	stream.indirect_vreg.gather [hbm4b:s3+s2], $0x80, v4, vm0, $0xb8;
	[tilespmem:$0x10400] =	vst v63  }
0x19f: {  	s19 =	simm.s32 $0x2C00  }
0x1a0: {  	[tilespmem:s19], [sflag:$0x1] =	stream.indirect_vreg.gather [hbm4b:s3+s2], $0x80, v3, vm0, $0xb8;
	[tilespmem:$0x10400] =	vst v63  }
0x1a1: {  	v3 =	vld [tilespmem:$0x230];
	_ =	sdelay $0x4  }
0x1a2: {  	v35 =	vshll.u32 v3, $0x1  }
0x1a3: {  	v3 =	vand.u32 $0x7, v3;
	v4 =	vand.u32 $0xFFFFFFF0, v35  }
0x1a4: {  	v3 =	vor.u32 v3, v4  }
0x1a5: {  	v4 =	vperm.xlane v3, v0;
	_ =	sdelay $0x1  }
0x1a6: {  	v3 =	vperm.xlane v3, v2;
	v4 =	vadd.s32 v1, v4;
	_ =	sdelay $0x1  }
0x1a7: {  	v3 =	vadd.s32 v1, v3;
	_ =	sdelay $0x2  }
0x1a8: {  	[tilespmem:s20], [sflag:$0x1] =	stream.indirect_vreg.gather [hbm4b:s3+s2], $0x80, v4, vm0, $0xb8;
	[tilespmem:$0x10400] =	vst v63  }
0x1a9: {  	s16 =	simm.s32 $0x3C00  }
0x1aa: {  	[tilespmem:s16], [sflag:$0x1] =	stream.indirect_vreg.gather [hbm4b:s3+s2], $0x80, v3, vm0, $0xb8;
	[tilespmem:$0x10400] =	vst v63  }
0x1ab: {  	v3 =	vld [tilespmem:$0x240];
	_ =	sdelay $0x4  }
0x1ac: {  	v36 =	vshll.u32 v3, $0x1  }
0x1ad: {  	v3 =	vand.u32 $0x7, v3;
	v4 =	vand.u32 $0xFFFFFFF0, v36  }
0x1ae: {  	v3 =	vor.u32 v3, v4  }
0x1af: {  	v4 =	vperm.xlane v3, v0;
	_ =	sdelay $0x1  }
0x1b0: {  	v3 =	vperm.xlane v3, v2;
	v4 =	vadd.s32 v1, v4;
	_ =	sdelay $0x1  }
0x1b1: {  	v3 =	vadd.s32 v1, v3;
	_ =	sdelay $0x1  }
0x1b2: {  	s16 =	simm.s32 $0x4400  }
0x1b3: {  	[tilespmem:s16], [sflag:$0x1] =	stream.indirect_vreg.gather [hbm4b:s3+s2], $0x80, v4, vm0, $0xb8;
	[tilespmem:$0x10400] =	vst v63  }
0x1b4: {  	s16 =	simm.s32 $0x4C00  }
0x1b5: {  	[tilespmem:s16], [sflag:$0x1] =	stream.indirect_vreg.gather [hbm4b:s3+s2], $0x80, v3, vm0, $0xb8;
	[tilespmem:$0x10400] =	vst v63  }
0x1b6: {  	v3 =	vld [tilespmem:$0x250];
	_ =	sdelay $0x4  }
0x1b7: {  	v37 =	vshll.u32 v3, $0x1  }
0x1b8: {  	v3 =	vand.u32 $0x7, v3;
	v4 =	vand.u32 $0xFFFFFFF0, v37  }
0x1b9: {  	v3 =	vor.u32 v3, v4  }
0x1ba: {  	v4 =	vperm.xlane v3, v0;
	_ =	sdelay $0x1  }
0x1bb: {  	v3 =	vperm.xlane v3, v2;
	v4 =	vadd.s32 v1, v4;
	_ =	sdelay $0x1  }
0x1bc: {  	v3 =	vadd.s32 v1, v3;
	_ =	sdelay $0x1  }
0x1bd: {  	s26 =	simm.s32 $0x5400  }
0x1be: {  	[tilespmem:s26], [sflag:$0x1] =	stream.indirect_vreg.gather [hbm4b:s3+s2], $0x80, v4, vm0, $0xb8;
	[tilespmem:$0x10400] =	vst v63  }
0x1bf: {  	s29 =	simm.s32 $0x5C00  }
0x1c0: {  	[tilespmem:s29], [sflag:$0x1] =	stream.indirect_vreg.gather [hbm4b:s3+s2], $0x80, v3, vm0, $0xb8;
	[tilespmem:$0x10400] =	vst v63  }
0x1c1: {  	v3 =	vld [tilespmem:$0x260];
	_ =	sdelay $0x4  }
0x1c2: {  	v38 =	vshll.u32 v3, $0x1  }
0x1c3: {  	v3 =	vand.u32 $0x7, v3;
	v4 =	vand.u32 $0xFFFFFFF0, v38  }
0x1c4: {  	v3 =	vor.u32 v3, v4  }
0x1c5: {  	v4 =	vperm.xlane v3, v0;
	_ =	sdelay $0x1  }
0x1c6: {  	v3 =	vperm.xlane v3, v2;
	v4 =	vadd.s32 v1, v4;
	_ =	sdelay $0x1  }
0x1c7: {  	v3 =	vadd.s32 v1, v3;
	_ =	sdelay $0x1  }
0x1c8: {  	s28 =	simm.s32 $0x6400  }
0x1c9: {  	[tilespmem:s28], [sflag:$0x1] =	stream.indirect_vreg.gather [hbm4b:s3+s2], $0x80, v4, vm0, $0xb8;
	[tilespmem:$0x10400] =	vst v63  }
0x1ca: {  	s28 =	simm.s32 $0x6C00  }
0x1cb: {  	[tilespmem:s28], [sflag:$0x1] =	stream.indirect_vreg.gather [hbm4b:s3+s2], $0x80, v3, vm0, $0xb8;
	[tilespmem:$0x10400] =	vst v63  }
0x1cc: {  	v3 =	vld [tilespmem:$0x270];
	_ =	sdelay $0x4  }
0x1cd: {  	v39 =	vshll.u32 v3, $0x1  }
0x1ce: {  	v3 =	vand.u32 $0x7, v3;
	v4 =	vand.u32 $0xFFFFFFF0, v39  }
0x1cf: {  	v3 =	vor.u32 v3, v4  }
0x1d0: {  	v4 =	vperm.xlane v3, v0;
	_ =	sdelay $0x1  }
0x1d1: {  	v3 =	vperm.xlane v3, v2;
	v4 =	vadd.s32 v1, v4;
	_ =	sdelay $0x1  }
0x1d2: {  	v3 =	vadd.s32 v1, v3;
	_ =	sdelay $0x1  }
0x1d3: {  	s31 =	simm.s32 $0x7400  }
0x1d4: {  	[tilespmem:s31], [sflag:$0x1] =	stream.indirect_vreg.gather [hbm4b:s3+s2], $0x80, v4, vm0, $0xb8;
	[tilespmem:$0x10400] =	vst v63  }
0x1d5: {  	_ = 	snop  }
0x1d6: {  	[tilespmem:s9], [sflag:$0x1] =	stream.indirect_vreg.gather [hbm4b:s3+s2], $0x80, v3, vm0, $0xb8;
	[tilespmem:$0x10400] =	vst v63  }
0x1d7: {  	v3 =	vld [tilespmem:$0x280];
	_ =	sdelay $0x4  }
0x1d8: {  	v40 =	vshll.u32 v3, $0x1  }
0x1d9: {  	v3 =	vand.u32 $0x7, v3;
	v4 =	vand.u32 $0xFFFFFFF0, v40  }
0x1da: {  	v3 =	vor.u32 v3, v4  }
0x1db: {  	v4 =	vperm.xlane v3, v0;
	_ =	sdelay $0x1  }
0x1dc: {  	v3 =	vperm.xlane v3, v2;
	v4 =	vadd.s32 v1, v4;
	_ =	sdelay $0x1  }
0x1dd: {  	v3 =	vadd.s32 v1, v3;
	_ =	sdelay $0x2  }
0x1de: {  	[tilespmem:s10], [sflag:$0x1] =	stream.indirect_vreg.gather [hbm4b:s3+s2], $0x80, v4, vm0, $0xb8;
	[tilespmem:$0x10400] =	vst v63  }
0x1df: {  	_ = 	snop  }
0x1e0: {  	[tilespmem:s11], [sflag:$0x1] =	stream.indirect_vreg.gather [hbm4b:s3+s2], $0x80, v3, vm0, $0xb8;
	[tilespmem:$0x10400] =	vst v63  }
0x1e1: {  	v3 =	vld [tilespmem:$0x290];
	_ =	sdelay $0x4  }
0x1e2: {  	v41 =	vshll.u32 v3, $0x1  }
0x1e3: {  	v3 =	vand.u32 $0x7, v3;
	v4 =	vand.u32 $0xFFFFFFF0, v41  }
0x1e4: {  	v3 =	vor.u32 v3, v4  }
0x1e5: {  	v4 =	vperm.xlane v3, v0;
	_ =	sdelay $0x1  }
0x1e6: {  	v3 =	vperm.xlane v3, v2;
	v4 =	vadd.s32 v1, v4;
	_ =	sdelay $0x1  }
0x1e7: {  	v3 =	vadd.s32 v1, v3;
	_ =	sdelay $0x2  }
0x1e8: {  	[tilespmem:s18], [sflag:$0x1] =	stream.indirect_vreg.gather [hbm4b:s3+s2], $0x80, v4, vm0, $0xb8;
	[tilespmem:$0x10400] =	vst v63  }
0x1e9: {  	_ = 	snop  }
0x1ea: {  	[tilespmem:s21], [sflag:$0x1] =	stream.indirect_vreg.gather [hbm4b:s3+s2], $0x80, v3, vm0, $0xb8;
	[tilespmem:$0x10400] =	vst v63  }
0x1eb: {  	v3 =	vld [tilespmem:$0x2A0];
	_ =	sdelay $0x4  }
0x1ec: {  	v42 =	vshll.u32 v3, $0x1  }
0x1ed: {  	v3 =	vand.u32 $0x7, v3;
	v4 =	vand.u32 $0xFFFFFFF0, v42  }
0x1ee: {  	v3 =	vor.u32 v3, v4  }
0x1ef: {  	v4 =	vperm.xlane v3, v0;
	_ =	sdelay $0x1  }
0x1f0: {  	v3 =	vperm.xlane v3, v2;
	v4 =	vadd.s32 v1, v4;
	_ =	sdelay $0x1  }
0x1f1: {  	v3 =	vadd.s32 v1, v3;
	_ =	sdelay $0x1  }
0x1f2: {  	s18 =	simm.s32 $0xA400  }
0x1f3: {  	[tilespmem:s18], [sflag:$0x1] =	stream.indirect_vreg.gather [hbm4b:s3+s2], $0x80, v4, vm0, $0xb8;
	[tilespmem:$0x10400] =	vst v63  }
0x1f4: {  	_ = 	snop  }
0x1f5: {  	[tilespmem:s24], [sflag:$0x1] =	stream.indirect_vreg.gather [hbm4b:s3+s2], $0x80, v3, vm0, $0xb8;
	[tilespmem:$0x10400] =	vst v63  }
0x1f6: {  	v3 =	vld [tilespmem:$0x2B0];
	_ =	sdelay $0x4  }
0x1f7: {  	v43 =	vshll.u32 v3, $0x1  }
0x1f8: {  	v3 =	vand.u32 $0x7, v3;
	v4 =	vand.u32 $0xFFFFFFF0, v43  }
0x1f9: {  	v3 =	vor.u32 v3, v4  }
0x1fa: {  	v4 =	vperm.xlane v3, v0;
	_ =	sdelay $0x1  }
0x1fb: {  	v3 =	vperm.xlane v3, v2;
	v4 =	vadd.s32 v1, v4;
	_ =	sdelay $0x1  }
0x1fc: {  	v3 =	vadd.s32 v1, v3;
	_ =	sdelay $0x2  }
0x1fd: {  	[tilespmem:s22], [sflag:$0x1] =	stream.indirect_vreg.gather [hbm4b:s3+s2], $0x80, v4, vm0, $0xb8;
	[tilespmem:$0x10400] =	vst v63  }
0x1fe: {  	s18 =	simm.s32 $0xBC00  }
0x1ff: {  	[tilespmem:s18], [sflag:$0x1] =	stream.indirect_vreg.gather [hbm4b:s3+s2], $0x80, v3, vm0, $0xb8;
	[tilespmem:$0x10400] =	vst v63  }
0x200: {  	v3 =	vld [tilespmem:$0x2C0];
	_ =	sdelay $0x4  }
0x201: {  	v44 =	vshll.u32 v3, $0x1  }
0x202: {  	v3 =	vand.u32 $0x7, v3;
	v4 =	vand.u32 $0xFFFFFFF0, v44  }
0x203: {  	v3 =	vor.u32 v3, v4  }
0x204: {  	v4 =	vperm.xlane v3, v0;
	_ =	sdelay $0x1  }
0x205: {  	v3 =	vperm.xlane v3, v2;
	v4 =	vadd.s32 v1, v4;
	_ =	sdelay $0x1  }
0x206: {  	v3 =	vadd.s32 v1, v3;
	_ =	sdelay $0x2  }
0x207: {  	[tilespmem:s23], [sflag:$0x1] =	stream.indirect_vreg.gather [hbm4b:s3+s2], $0x80, v4, vm0, $0xb8;
	[tilespmem:$0x10400] =	vst v63  }
0x208: {  	s30 =	simm.s32 $0xCC00  }
0x209: {  	[tilespmem:s30], [sflag:$0x1] =	stream.indirect_vreg.gather [hbm4b:s3+s2], $0x80, v3, vm0, $0xb8;
	[tilespmem:$0x10400] =	vst v63  }
0x20a: {  	v3 =	vld [tilespmem:$0x2D0];
	_ =	sdelay $0x4  }
0x20b: {  	v45 =	vshll.u32 v3, $0x1  }
0x20c: {  	v3 =	vand.u32 $0x7, v3;
	v4 =	vand.u32 $0xFFFFFFF0, v45  }
0x20d: {  	v3 =	vor.u32 v3, v4  }
0x20e: {  	v4 =	vperm.xlane v3, v0;
	_ =	sdelay $0x1  }
0x20f: {  	v3 =	vperm.xlane v3, v2;
	v4 =	vadd.s32 v1, v4;
	_ =	sdelay $0x1  }
0x210: {  	v3 =	vadd.s32 v1, v3;
	_ =	sdelay $0x2  }
0x211: {  	[tilespmem:s0], [sflag:$0x1] =	stream.indirect_vreg.gather [hbm4b:s3+s2], $0x80, v4, vm0, $0xb8;
	[tilespmem:$0x10400] =	vst v63  }
0x212: {  	_ = 	snop  }
0x213: {  	[tilespmem:s5], [sflag:$0x1] =	stream.indirect_vreg.gather [hbm4b:s3+s2], $0x80, v3, vm0, $0xb8;
	[tilespmem:$0x10400] =	vst v63  }
0x214: {  	v3 =	vld [tilespmem:$0x2E0];
	_ =	sdelay $0x4  }
0x215: {  	v46 =	vshll.u32 v3, $0x1  }
0x216: {  	v3 =	vand.u32 $0x7, v3;
	v4 =	vand.u32 $0xFFFFFFF0, v46  }
0x217: {  	v3 =	vor.u32 v3, v4  }
0x218: {  	v4 =	vperm.xlane v3, v0;
	_ =	sdelay $0x1  }
0x219: {  	v3 =	vperm.xlane v3, v2;
	v4 =	vadd.s32 v1, v4;
	_ =	sdelay $0x1  }
0x21a: {  	v3 =	vadd.s32 v1, v3;
	_ =	sdelay $0x2  }
0x21b: {  	[tilespmem:s1], [sflag:$0x1] =	stream.indirect_vreg.gather [hbm4b:s3+s2], $0x80, v4, vm0, $0xb8;
	[tilespmem:$0x10400] =	vst v63  }
0x21c: {  	_ = 	snop  }
0x21d: {  	[tilespmem:s7], [sflag:$0x1] =	stream.indirect_vreg.gather [hbm4b:s3+s2], $0x80, v3, vm0, $0xb8;
	[tilespmem:$0x10400] =	vst v63  }
0x21e: {  	v3 =	vld [tilespmem:$0x2F0];
	_ =	sdelay $0x4  }
0x21f: {  	v47 =	vshll.u32 v3, $0x1  }
0x220: {  	v3 =	vand.u32 $0x7, v3;
	v4 =	vand.u32 $0xFFFFFFF0, v47  }
0x221: {  	v3 =	vor.u32 v3, v4  }
0x222: {  	v4 =	vperm.xlane v3, v0;
	_ =	sdelay $0x1  }
0x223: {  	v3 =	vperm.xlane v3, v2;
	v4 =	vadd.s32 v1, v4;
	_ =	sdelay $0x1  }
0x224: {  	v3 =	vadd.s32 v1, v3;
	_ =	sdelay $0x2  }
0x225: {  	[tilespmem:s4], [sflag:$0x1] =	stream.indirect_vreg.gather [hbm4b:s3+s2], $0x80, v4, vm0, $0xb8;
	[tilespmem:$0x10400] =	vst v63  }
0x226: {  	_ = 	snop  }
0x227: {  	[tilespmem:s8], [sflag:$0x1] =	stream.indirect_vreg.gather [hbm4b:s3+s2], $0x80, v3, vm0, $0xb8;
	[tilespmem:$0x10400] =	vst v63  }
0x228: {  	_ =	swait.ge [sflag:s12], $0x8000  }
0x229: {  	[sflag:s12] =	ssyncset.done $0x0  }
0x22a: {  	[sflag:s12] =	ssyncadd.s32 $0xFFFF8000  }
0x22b: {  	_ =	swait.ge [sflag:s12], $0x8000  }
0x22c: {  	[sflag:s12] =	ssyncset.done $0x0  }
0x22d: {  	s18 =	sadd.s32 $0x4000, s15;
	[sflag:s12] =	ssyncadd.s32 $0xFFFF8000  }
0x22e: {  	[hbm4b:s18+s2] =	stream.linear.scatter [tilespmem:s25], [sflag:$0x2], $0x10000, $0x38;
	[tilespmem:$0x10400] =	vst v63  }
0x22f: {  	_ =	swait.ge [sflag:s6], $0x10000  }
0x230: {  	[sflag:s6] =	ssyncset.done $0x0  }
0x231: {  	[sflag:s6] =	ssyncadd.s32 $0xFFFF0000  }
0x232: {  	v3 =	vld [tilespmem:$0x300];
	_ =	sdelay $0x4  }
0x233: {  	v48 =	vshll.u32 v3, $0x1  }
0x234: {  	v3 =	vand.u32 $0x7, v3;
	v4 =	vand.u32 $0xFFFFFFF0, v48  }
0x235: {  	v3 =	vor.u32 v3, v4  }
0x236: {  	v4 =	vperm.xlane v3, v0;
	_ =	sdelay $0x1  }
0x237: {  	v3 =	vperm.xlane v3, v2;
	v4 =	vadd.s32 v1, v4;
	_ =	sdelay $0x1  }
0x238: {  	v3 =	vadd.s32 v1, v3;
	_ =	sdelay $0x2  }
0x239: {  	[tilespmem:s25], [sflag:$0x1] =	stream.indirect_vreg.gather [hbm4b:s3+s2], $0x80, v4, vm0, $0xb8;
	[tilespmem:$0x10400] =	vst v63  }
0x23a: {  	s16 =	simm.s32 $0xC00  }
0x23b: {  	[tilespmem:s16], [sflag:$0x1] =	stream.indirect_vreg.gather [hbm4b:s3+s2], $0x80, v3, vm0, $0xb8;
	[tilespmem:$0x10400] =	vst v63  }
0x23c: {  	v3 =	vld [tilespmem:$0x310];
	_ =	sdelay $0x4  }
0x23d: {  	v49 =	vshll.u32 v3, $0x1  }
0x23e: {  	v3 =	vand.u32 $0x7, v3;
	v4 =	vand.u32 $0xFFFFFFF0, v49  }
0x23f: {  	v3 =	vor.u32 v3, v4  }
0x240: {  	v4 =	vperm.xlane v3, v0;
	_ =	sdelay $0x1  }
0x241: {  	v3 =	vperm.xlane v3, v2;
	v4 =	vadd.s32 v1, v4;
	_ =	sdelay $0x1  }
0x242: {  	v3 =	vadd.s32 v1, v3;
	_ =	sdelay $0x2  }
0x243: {  	[tilespmem:s17], [sflag:$0x1] =	stream.indirect_vreg.gather [hbm4b:s3+s2], $0x80, v4, vm0, $0xb8;
	[tilespmem:$0x10400] =	vst v63  }
0x244: {  	s0 =	simm.s32 $0x1C00  }
0x245: {  	[tilespmem:s0], [sflag:$0x1] =	stream.indirect_vreg.gather [hbm4b:s3+s2], $0x80, v3, vm0, $0xb8;
	[tilespmem:$0x10400] =	vst v63  }
0x246: {  	v3 =	vld [tilespmem:$0x320];
	_ =	sdelay $0x4  }
0x247: {  	v50 =	vshll.u32 v3, $0x1  }
0x248: {  	v3 =	vand.u32 $0x7, v3;
	v4 =	vand.u32 $0xFFFFFFF0, v50  }
0x249: {  	v3 =	vor.u32 v3, v4  }
0x24a: {  	v4 =	vperm.xlane v3, v0;
	_ =	sdelay $0x1  }
0x24b: {  	v3 =	vperm.xlane v3, v2;
	v4 =	vadd.s32 v1, v4;
	_ =	sdelay $0x1  }
0x24c: {  	v3 =	vadd.s32 v1, v3;
	_ =	sdelay $0x1  }
0x24d: {  	s18 =	simm.s32 $0x2400  }
0x24e: {  	[tilespmem:s18], [sflag:$0x1] =	stream.indirect_vreg.gather [hbm4b:s3+s2], $0x80, v4, vm0, $0xb8;
	[tilespmem:$0x10400] =	vst v63  }
0x24f: {  	_ = 	snop  }
0x250: {  	[tilespmem:s19], [sflag:$0x1] =	stream.indirect_vreg.gather [hbm4b:s3+s2], $0x80, v3, vm0, $0xb8;
	[tilespmem:$0x10400] =	vst v63  }
0x251: {  	v3 =	vld [tilespmem:$0x330];
	_ =	sdelay $0x4  }
0x252: {  	v51 =	vshll.u32 v3, $0x1  }
0x253: {  	v3 =	vand.u32 $0x7, v3;
	v4 =	vand.u32 $0xFFFFFFF0, v51  }
0x254: {  	v3 =	vor.u32 v3, v4  }
0x255: {  	v4 =	vperm.xlane v3, v0;
	_ =	sdelay $0x1  }
0x256: {  	v3 =	vperm.xlane v3, v2;
	v4 =	vadd.s32 v1, v4;
	_ =	sdelay $0x1  }
0x257: {  	v3 =	vadd.s32 v1, v3;
	_ =	sdelay $0x2  }
0x258: {  	[tilespmem:s20], [sflag:$0x1] =	stream.indirect_vreg.gather [hbm4b:s3+s2], $0x80, v4, vm0, $0xb8;
	[tilespmem:$0x10400] =	vst v63  }
0x259: {  	s0 =	simm.s32 $0x3C00  }
0x25a: {  	[tilespmem:s0], [sflag:$0x1] =	stream.indirect_vreg.gather [hbm4b:s3+s2], $0x80, v3, vm0, $0xb8;
	[tilespmem:$0x10400] =	vst v63  }
0x25b: {  	v3 =	vld [tilespmem:$0x340];
	_ =	sdelay $0x4  }
0x25c: {  	v52 =	vshll.u32 v3, $0x1  }
0x25d: {  	v3 =	vand.u32 $0x7, v3;
	v4 =	vand.u32 $0xFFFFFFF0, v52  }
0x25e: {  	v3 =	vor.u32 v3, v4  }
0x25f: {  	v4 =	vperm.xlane v3, v0;
	_ =	sdelay $0x1  }
0x260: {  	v3 =	vperm.xlane v3, v2;
	v4 =	vadd.s32 v1, v4;
	_ =	sdelay $0x1  }
0x261: {  	v3 =	vadd.s32 v1, v3;
	_ =	sdelay $0x1  }
0x262: {  	s0 =	simm.s32 $0x4400  }
0x263: {  	[tilespmem:s0], [sflag:$0x1] =	stream.indirect_vreg.gather [hbm4b:s3+s2], $0x80, v4, vm0, $0xb8;
	[tilespmem:$0x10400] =	vst v63  }
0x264: {  	s0 =	simm.s32 $0x4C00  }
0x265: {  	[tilespmem:s0], [sflag:$0x1] =	stream.indirect_vreg.gather [hbm4b:s3+s2], $0x80, v3, vm0, $0xb8;
	[tilespmem:$0x10400] =	vst v63  }
0x266: {  	v3 =	vld [tilespmem:$0x350];
	_ =	sdelay $0x4  }
0x267: {  	v53 =	vshll.u32 v3, $0x1  }
0x268: {  	v3 =	vand.u32 $0x7, v3;
	v4 =	vand.u32 $0xFFFFFFF0, v53  }
0x269: {  	v3 =	vor.u32 v3, v4  }
0x26a: {  	v4 =	vperm.xlane v3, v0;
	_ =	sdelay $0x1  }
0x26b: {  	v3 =	vperm.xlane v3, v2;
	v4 =	vadd.s32 v1, v4;
	_ =	sdelay $0x1  }
0x26c: {  	v3 =	vadd.s32 v1, v3;
	_ =	sdelay $0x1  }
0x26d: {  	s26 =	simm.s32 $0x5400  }
0x26e: {  	[tilespmem:s26], [sflag:$0x1] =	stream.indirect_vreg.gather [hbm4b:s3+s2], $0x80, v4, vm0, $0xb8;
	[tilespmem:$0x10400] =	vst v63  }
0x26f: {  	s0 =	simm.s32 $0x5C00  }
0x270: {  	[tilespmem:s0], [sflag:$0x1] =	stream.indirect_vreg.gather [hbm4b:s3+s2], $0x80, v3, vm0, $0xb8;
	[tilespmem:$0x10400] =	vst v63  }
0x271: {  	v3 =	vld [tilespmem:$0x360];
	_ =	sdelay $0x4  }
0x272: {  	v54 =	vshll.u32 v3, $0x1  }
0x273: {  	v3 =	vand.u32 $0x7, v3;
	v4 =	vand.u32 $0xFFFFFFF0, v54  }
0x274: {  	v3 =	vor.u32 v3, v4  }
0x275: {  	v4 =	vperm.xlane v3, v0;
	_ =	sdelay $0x1  }
0x276: {  	v3 =	vperm.xlane v3, v2;
	v4 =	vadd.s32 v1, v4;
	_ =	sdelay $0x1  }
0x277: {  	v3 =	vadd.s32 v1, v3;
	_ =	sdelay $0x1  }
0x278: {  	s29 =	simm.s32 $0x6400  }
0x279: {  	[tilespmem:s29], [sflag:$0x1] =	stream.indirect_vreg.gather [hbm4b:s3+s2], $0x80, v4, vm0, $0xb8;
	[tilespmem:$0x10400] =	vst v63  }
0x27a: {  	s0 =	simm.s32 $0x6C00  }
0x27b: {  	[tilespmem:s0], [sflag:$0x1] =	stream.indirect_vreg.gather [hbm4b:s3+s2], $0x80, v3, vm0, $0xb8;
	[tilespmem:$0x10400] =	vst v63  }
0x27c: {  	v3 =	vld [tilespmem:$0x370];
	_ =	sdelay $0x4  }
0x27d: {  	v55 =	vshll.u32 v3, $0x1  }
0x27e: {  	v3 =	vand.u32 $0x7, v3;
	v4 =	vand.u32 $0xFFFFFFF0, v55  }
0x27f: {  	v3 =	vor.u32 v3, v4  }
0x280: {  	v4 =	vperm.xlane v3, v0;
	_ =	sdelay $0x1  }
0x281: {  	v3 =	vperm.xlane v3, v2;
	v4 =	vadd.s32 v1, v4;
	_ =	sdelay $0x1  }
0x282: {  	v3 =	vadd.s32 v1, v3;
	_ =	sdelay $0x1  }
0x283: {  	s31 =	simm.s32 $0x7400  }
0x284: {  	[tilespmem:s31], [sflag:$0x1] =	stream.indirect_vreg.gather [hbm4b:s3+s2], $0x80, v4, vm0, $0xb8;
	[tilespmem:$0x10400] =	vst v63  }
0x285: {  	s9 =	simm.s32 $0x7C00  }
0x286: {  	[tilespmem:s9], [sflag:$0x1] =	stream.indirect_vreg.gather [hbm4b:s3+s2], $0x80, v3, vm0, $0xb8;
	[tilespmem:$0x10400] =	vst v63  }
0x287: {  	v3 =	vld [tilespmem:$0x380];
	_ =	sdelay $0x4  }
0x288: {  	v56 =	vshll.u32 v3, $0x1  }
0x289: {  	v3 =	vand.u32 $0x7, v3;
	v4 =	vand.u32 $0xFFFFFFF0, v56  }
0x28a: {  	v3 =	vor.u32 v3, v4  }
0x28b: {  	v4 =	vperm.xlane v3, v0;
	_ =	sdelay $0x1  }
0x28c: {  	v3 =	vperm.xlane v3, v2;
	v4 =	vadd.s32 v1, v4;
	_ =	sdelay $0x1  }
0x28d: {  	v3 =	vadd.s32 v1, v3;
	_ =	sdelay $0x1  }
0x28e: {  	s10 =	simm.s32 $0x8400  }
0x28f: {  	[tilespmem:s10], [sflag:$0x1] =	stream.indirect_vreg.gather [hbm4b:s3+s2], $0x80, v4, vm0, $0xb8;
	[tilespmem:$0x10400] =	vst v63  }
0x290: {  	s11 =	simm.s32 $0x8C00  }
0x291: {  	[tilespmem:s11], [sflag:$0x1] =	stream.indirect_vreg.gather [hbm4b:s3+s2], $0x80, v3, vm0, $0xb8;
	[tilespmem:$0x10400] =	vst v63  }
0x292: {  	v3 =	vld [tilespmem:$0x390];
	_ =	sdelay $0x4  }
0x293: {  	v57 =	vshll.u32 v3, $0x1  }
0x294: {  	v3 =	vand.u32 $0x7, v3;
	v4 =	vand.u32 $0xFFFFFFF0, v57  }
0x295: {  	v3 =	vor.u32 v3, v4  }
0x296: {  	v4 =	vperm.xlane v3, v0;
	_ =	sdelay $0x1  }
0x297: {  	v3 =	vperm.xlane v3, v2;
	v4 =	vadd.s32 v1, v4;
	_ =	sdelay $0x1  }
0x298: {  	v3 =	vadd.s32 v1, v3;
	_ =	sdelay $0x1  }
0x299: {  	s28 =	simm.s32 $0x9400  }
0x29a: {  	[tilespmem:s28], [sflag:$0x1] =	stream.indirect_vreg.gather [hbm4b:s3+s2], $0x80, v4, vm0, $0xb8;
	[tilespmem:$0x10400] =	vst v63  }
0x29b: {  	s21 =	simm.s32 $0x9C00  }
0x29c: {  	[tilespmem:s21], [sflag:$0x1] =	stream.indirect_vreg.gather [hbm4b:s3+s2], $0x80, v3, vm0, $0xb8;
	[tilespmem:$0x10400] =	vst v63  }
0x29d: {  	v3 =	vld [tilespmem:$0x3A0];
	_ =	sdelay $0x4  }
0x29e: {  	v58 =	vshll.u32 v3, $0x1  }
0x29f: {  	v3 =	vand.u32 $0x7, v3;
	v4 =	vand.u32 $0xFFFFFFF0, v58  }
0x2a0: {  	v3 =	vor.u32 v3, v4  }
0x2a1: {  	v4 =	vperm.xlane v3, v0;
	_ =	sdelay $0x1  }
0x2a2: {  	v3 =	vperm.xlane v3, v2;
	v4 =	vadd.s32 v1, v4;
	_ =	sdelay $0x1  }
0x2a3: {  	v3 =	vadd.s32 v1, v3;
	_ =	sdelay $0x1  }
0x2a4: {  	s28 =	simm.s32 $0xA400  }
0x2a5: {  	[tilespmem:s28], [sflag:$0x1] =	stream.indirect_vreg.gather [hbm4b:s3+s2], $0x80, v4, vm0, $0xb8;
	[tilespmem:$0x10400] =	vst v63  }
0x2a6: {  	s24 =	simm.s32 $0xAC00  }
0x2a7: {  	[tilespmem:s24], [sflag:$0x1] =	stream.indirect_vreg.gather [hbm4b:s3+s2], $0x80, v3, vm0, $0xb8;
	[tilespmem:$0x10400] =	vst v63  }
0x2a8: {  	v3 =	vld [tilespmem:$0x3B0];
	_ =	sdelay $0x4  }
0x2a9: {  	v59 =	vshll.u32 v3, $0x1  }
0x2aa: {  	v3 =	vand.u32 $0x7, v3;
	v4 =	vand.u32 $0xFFFFFFF0, v59  }
0x2ab: {  	v3 =	vor.u32 v3, v4  }
0x2ac: {  	v4 =	vperm.xlane v3, v0;
	_ =	sdelay $0x1  }
0x2ad: {  	v3 =	vperm.xlane v3, v2;
	v4 =	vadd.s32 v1, v4;
	_ =	sdelay $0x1  }
0x2ae: {  	v3 =	vadd.s32 v1, v3;
	_ =	sdelay $0x1  }
0x2af: {  	s22 =	simm.s32 $0xB400  }
0x2b0: {  	[tilespmem:s22], [sflag:$0x1] =	stream.indirect_vreg.gather [hbm4b:s3+s2], $0x80, v4, vm0, $0xb8;
	[tilespmem:$0x10400] =	vst v63  }
0x2b1: {  	s29 =	simm.s32 $0xBC00  }
0x2b2: {  	[tilespmem:s29], [sflag:$0x1] =	stream.indirect_vreg.gather [hbm4b:s3+s2], $0x80, v3, vm0, $0xb8;
	[tilespmem:$0x10400] =	vst v63  }
0x2b3: {  	v3 =	vld [tilespmem:$0x3C0];
	_ =	sdelay $0x4  }
0x2b4: {  	v60 =	vshll.u32 v3, $0x1  }
0x2b5: {  	v3 =	vand.u32 $0x7, v3;
	v4 =	vand.u32 $0xFFFFFFF0, v60  }
0x2b6: {  	v3 =	vor.u32 v3, v4  }
0x2b7: {  	v4 =	vperm.xlane v3, v0;
	_ =	sdelay $0x1  }
0x2b8: {  	v3 =	vperm.xlane v3, v2;
	v4 =	vadd.s32 v1, v4;
	_ =	sdelay $0x1  }
0x2b9: {  	v3 =	vadd.s32 v1, v3;
	_ =	sdelay $0x1  }
0x2ba: {  	s23 =	simm.s32 $0xC400  }
0x2bb: {  	[tilespmem:s23], [sflag:$0x1] =	stream.indirect_vreg.gather [hbm4b:s3+s2], $0x80, v4, vm0, $0xb8;
	[tilespmem:$0x10400] =	vst v63  }
0x2bc: {  	s30 =	simm.s32 $0xCC00  }
0x2bd: {  	[tilespmem:s30], [sflag:$0x1] =	stream.indirect_vreg.gather [hbm4b:s3+s2], $0x80, v3, vm0, $0xb8;
	[tilespmem:$0x10400] =	vst v63  }
0x2be: {  	v3 =	vld [tilespmem:$0x3D0];
	_ =	sdelay $0x4  }
0x2bf: {  	v61 =	vshll.u32 v3, $0x1  }
0x2c0: {  	v3 =	vand.u32 $0x7, v3;
	v4 =	vand.u32 $0xFFFFFFF0, v61  }
0x2c1: {  	v3 =	vor.u32 v3, v4  }
0x2c2: {  	v4 =	vperm.xlane v3, v0;
	_ =	sdelay $0x1  }
0x2c3: {  	v3 =	vperm.xlane v3, v2;
	v4 =	vadd.s32 v1, v4;
	_ =	sdelay $0x1  }
0x2c4: {  	v3 =	vadd.s32 v1, v3;
	_ =	sdelay $0x1  }
0x2c5: {  	s31 =	simm.s32 $0xD400  }
0x2c6: {  	[tilespmem:s31], [sflag:$0x1] =	stream.indirect_vreg.gather [hbm4b:s3+s2], $0x80, v4, vm0, $0xb8;
	[tilespmem:$0x10400] =	vst v63  }
0x2c7: {  	s5 =	simm.s32 $0xDC00  }
0x2c8: {  	[tilespmem:s5], [sflag:$0x1] =	stream.indirect_vreg.gather [hbm4b:s3+s2], $0x80, v3, vm0, $0xb8;
	[tilespmem:$0x10400] =	vst v63  }
0x2c9: {  	v3 =	vld [tilespmem:$0x3E0];
	_ =	sdelay $0x4  }
0x2ca: {  	v62 =	vshll.u32 v3, $0x1  }
0x2cb: {  	v3 =	vand.u32 $0x7, v3;
	v4 =	vand.u32 $0xFFFFFFF0, v62  }
0x2cc: {  	v3 =	vor.u32 v3, v4  }
0x2cd: {  	v4 =	vperm.xlane v3, v0;
	_ =	sdelay $0x1  }
0x2ce: {  	v3 =	vperm.xlane v3, v2;
	v4 =	vadd.s32 v1, v4;
	_ =	sdelay $0x1  }
0x2cf: {  	v3 =	vadd.s32 v1, v3;
	_ =	sdelay $0x1  }
0x2d0: {  	s1 =	simm.s32 $0xE400  }
0x2d1: {  	[tilespmem:s1], [sflag:$0x1] =	stream.indirect_vreg.gather [hbm4b:s3+s2], $0x80, v4, vm0, $0xb8;
	[tilespmem:$0x10400] =	vst v63  }
0x2d2: {  	s7 =	simm.s32 $0xEC00  }
0x2d3: {  	[tilespmem:s7], [sflag:$0x1] =	stream.indirect_vreg.gather [hbm4b:s3+s2], $0x80, v3, vm0, $0xb8;
	[tilespmem:$0x10400] =	vst v63  }
0x2d4: {  	v3 =	vld [tilespmem:$0x3F0];
	_ =	sdelay $0x4  }
0x2d5: {  	v63 =	vshll.u32 v3, $0x1  }
0x2d6: {  	v3 =	vand.u32 $0x7, v3;
	v4 =	vand.u32 $0xFFFFFFF0, v63  }
0x2d7: {  	v3 =	vor.u32 v3, v4  }
0x2d8: {  	v4 =	vperm.xlane v3, v0;
	_ =	sdelay $0x1  }
0x2d9: {  	v3 =	vperm.xlane v3, v2;
	v4 =	vadd.s32 v1, v4;
	_ =	sdelay $0x1  }
0x2da: {  	v3 =	vadd.s32 v1, v3;
	_ =	sdelay $0x1  }
0x2db: {  	s4 =	simm.s32 $0xF400  }
0x2dc: {  	[tilespmem:s4], [sflag:$0x1] =	stream.indirect_vreg.gather [hbm4b:s3+s2], $0x80, v4, vm0, $0xb8;
	[tilespmem:$0x10400] =	vst v63  }
0x2dd: {  	s8 =	simm.s32 $0xFC00  }
0x2de: {  	[tilespmem:s8], [sflag:$0x1] =	stream.indirect_vreg.gather [hbm4b:s3+s2], $0x80, v3, vm0, $0xb8;
	[tilespmem:$0x10400] =	vst v63  }
0x2df: {  	_ =	swait.ge [sflag:s12], $0x8000  }
0x2e0: {  	[sflag:s12] =	ssyncset.done $0x0  }
0x2e1: {  	[sflag:s12] =	ssyncadd.s32 $0xFFFF8000  }
0x2e2: {  	_ =	swait.ge [sflag:s12], $0x8000  }
0x2e3: {  	p0 =	sne.s32 s14, $0x98000;
	[sflag:s12] =	ssyncset.done $0x0  }
.Ltmp0:
0x2e4: {  	s15 =	sadd.s32 $0x6000, s15;
	[sflag:s12] =	ssyncadd.s32 $0xFFFF8000;
	(pc) =	sbr.rel @p0 .LBB2_2-.Ltmp0, $4  }
0x2e5: {  	[hbm4b:s15+s2] =	stream.linear.scatter [tilespmem:s25], [sflag:$0x2], $0x10000, $0x38;
	[tilespmem:$0x10400] =	vst v63  }
0x2e6: {  	_ =	swait.ge [sflag:s6], $0x10000  }
0x2e7: {  	s13 =	sadd.s32 $0x80, s13;
	[sflag:s6] =	ssyncset.done $0x0  }
0x2e8: {  	s14 =	sadd.s32 $0x8000, s14;
	s15 =	simm.s32 $0x1C00;
	[sflag:s6] =	ssyncadd.s32 $0xFFFF0000  }
0x2e9: {  	s0 =	rddreg [dreg:$0x6]  }
0x2ea: {  	s13 =	rddreg [dreg:$0x4];
	s0 =	sadd.s32 $0x1, s0  }
0x2eb: {  	p0 =	sne.s32 s0, s13  }
.Ltmp1:
0x2ec: {  	_ = 	snop;
	(pc) =	sbr.rel @p0 .LBB2_1-.Ltmp1, $1  }
0x2ed: {  	_ =	sdelay $0x3  }
0x2ee: {  	_ =	sfence.sel $0x180000  }
0x2ef: {  	[bflag:$0x0] =	sbarrier.arrive $0xFFFF  }
0x2f0: {  	_ =	strace $0x90000047  }
0x2f1: {  	s0 =	stileid.u32;
	[bflag:$0x2] =	sbarrier.arrive $0xFFFF  }
0x2f2: {  	p0 =	sne.s32 s0, $0x0;
	s0 =	rddreg [dreg:$0x2]  }
0x2f3: {  	s0 =	sadd.s32 @!p0 $0x100000, s0  }
0x2f4: {  	[sflag:s0] =	ssyncadd.tile.s32 @!p0 $0x1;
	_ =	shalt  }
.Lfunc_end2:
_tile_overlayer_lowered:
.L_overlay_start_2:
0x2f5: {  	(tag) =	ssettag $0x2  }
0x2f6: {  	s0 =	rddreg [dreg:$0x0];
	s2 =	stileid.u32  }
0x2f7: {  	s1 =	rddreg [dreg:$0x1];
	p0 =	sne.s32 s2, $0x0  }
0x2f8: {  	s3 =	rddreg [dreg:$0x2];
	[bflag:$0x3] =	sbarrier.arrive $0xFFFF;
	s2 =	simm.s32 @!p0 $0x1C02  }
0x2f9: {  	[timem:s3], [sflag:s2] =	dma.local @!p0 [hbm:s0], s1  }
0x2fa: {  	s0 =	simm.s32 @!p0 $0x2  }
0x2fb: {  	_ =	swait.ge @!p0 [sflag:s0], s1  }
0x2fc: {  	s1 =	ssub.s32 @!p0 $0x0, s1;
	[sflag:s0] =	ssyncset.done @!p0 $0x0  }
0x2fd: {  	[sflag:s0] =	ssyncadd.s32 @!p0 s1  }
0x2fe: {  	[bflag:$0x3] =	sbarrier.arrive $0xFFFF  }
0x2ff: {  	_ =	shalt  }

</sc_bundles>
